<compile_context>
chip_gen: v7x
topology: tpu7x:2x2x1
jax: 0.10.2.dev20260603
libtpu: 0.0.44.dev20260713+nightly
codegen_flags: <defaults>
</compile_context>

<pallas_src>
import jax
import jax.numpy as jnp
from jax import lax
from jax.experimental import pallas as pl
from jax.experimental.pallas import tpu as pltpu
from jax.experimental.pallas import tpu_sc as plsc

_V = 4096
_D = 32
_NC = 2
_NS = 16
_NW = _NC * _NS


def _sc_gather_body(Wf_hbm, bias4_hbm, eidx_hbm, eg4_hbm,
                    Wout_hbm, bout_hbm,
                    eidx_v, eg4_v, wrows_v, brows_v,
                    sem_w, sem_b):
    rpw = eidx_v.shape[0]
    wid = lax.axis_index("s") * _NC + lax.axis_index("c")
    base = wid * rpw
    pltpu.sync_copy(eidx_hbm.at[pl.ds(base, rpw)], eidx_v)
    pltpu.sync_copy(eg4_hbm.at[pl.ds(base, rpw)], eg4_v)
    cw = pltpu.async_copy(Wf_hbm.at[eidx_v], wrows_v, sem_w)
    cb = pltpu.async_copy(bias4_hbm.at[eg4_v], brows_v, sem_b)
    cw.wait()
    cb.wait()
    pltpu.sync_copy(wrows_v, Wout_hbm.at[pl.ds(base, rpw)])
    pltpu.sync_copy(brows_v, bout_hbm.at[pl.ds(base, rpw)])


def _extract32(rows128, sub):
    lane_grp = lax.broadcasted_iota(jnp.int32, (1, 128), 1) // _D
    masked = jnp.where(lane_grp == sub, rows128, 0.0)
    return (masked[:, 0:32] + masked[:, 32:64]
            + masked[:, 64:96] + masked[:, 96:128])


def _tc_scan_body(W3_ref, bg_ref, eidx_ref, ids_ref, pe_ref, a_ref,
                  bt_ref, sc_ref, logits_ref, probs_ref,
                  c_ref, ccol_ref, w3t_ref):
    L = ids_ref.shape[0]
    nsteps = L - 1
    gate = sc_ref[0]
    pe_scale = sc_ref[1]
    ident = jnp.where(
        lax.broadcasted_iota(jnp.int32, (_D, _D), 0)
        == lax.broadcasted_iota(jnp.int32, (_D, _D), 1), 1.0, 0.0)

    be = _extract32(bg_ref[...], eidx_ref[...] & 3)
    onehot = jnp.where(
        ids_ref[...] == lax.broadcasted_iota(jnp.int32, (1, _V), 1), 1.0, 0.0)
    hrow = lax.dot_general(onehot, bt_ref[...], (((1,), (0,)), ((), ())),
                           preferred_element_type=jnp.float32)
    h = (hrow + pe_scale * pe_ref[...]) * a_ref[...]
    cval = be[0:nsteps, :] + h[1:, :]
    c_ref[pl.ds(0, nsteps), :] = cval
    ccol_ref[pl.ds(0, nsteps)] = jnp.sum(
        ident[None, :, :] * cval[:, None, :], axis=2, keepdims=True)
    w3t_ref[...] = lax.dot_general(W3_ref[...], ident,
                                   (((1,), (0,)), ((), ())),
                                   preferred_element_type=jnp.float32)
    e0 = h[0:1, :]

    def stepA(t, e_row):
        E = jnp.broadcast_to(e_row, (_D, _D))
        r = jnp.sum(W3_ref[t] * E, axis=1, keepdims=True)
        ec = jnp.sum(ident * E, axis=1, keepdims=True)
        en = jnp.tanh(r + ccol_ref[t])
        return gate * en + (1.0 - gate) * ec

    def stepB(t, e_col):
        E = jnp.broadcast_to(e_col, (_D, _D))
        r = jnp.sum(w3t_ref[t] * E, axis=0, keepdims=True)
        er = jnp.sum(ident * E, axis=0, keepdims=True)
        en = jnp.tanh(r + c_ref[pl.ds(t, 1), :])
        return gate * en + (1.0 - gate) * er

    def pair(p, e_row):
        return stepB(2 * p + 1, stepA(2 * p, e_row))

    e = lax.fori_loop(0, (nsteps - 1) // 2, pair, e0, unroll=5)
    ecol = stepA(nsteps - 1, e)
    E = jnp.broadcast_to(ecol, (_D, _D))
    e = jnp.sum(ident * E, axis=0, keepdims=True)

    logits = lax.dot_general(e, bt_ref[...], (((1,), (1,)), ((), ())),
                             preferred_element_type=jnp.float32)
    logits_ref[...] = logits
    m = jnp.max(logits, axis=1, keepdims=True)
    ex = jnp.exp(logits - m)
    probs_ref[...] = ex / jnp.sum(ex, axis=1, keepdims=True)


def kernel(ids, eids, bias_table, W, bias, W_shared, bias_shared, a, gate,
           pe_scale, PE_cache):
    L = ids.shape[0]
    E = W.shape[0]
    rpw = L // _NW
    Wf = W.reshape(E, _D * _D)
    bias4 = bias.reshape(E // 4, 4 * _D)
    eidx = jnp.concatenate([eids, eids[:1]]).astype(jnp.int32)
    ids32 = ids.astype(jnp.int32)
    eg4 = eidx // 4

    sc_gather = pl.kernel(
        _sc_gather_body,
        out_type=[jax.ShapeDtypeStruct((L, _D * _D), jnp.float32),
                  jax.ShapeDtypeStruct((L, 4 * _D), jnp.float32)],
        mesh=plsc.VectorSubcoreMesh(core_axis_name="c", subcore_axis_name="s"),
        scratch_types=[pltpu.VMEM((rpw,), jnp.int32),
                       pltpu.VMEM((rpw,), jnp.int32),
                       pltpu.VMEM((rpw, _D * _D), jnp.float32),
                       pltpu.VMEM((rpw, 4 * _D), jnp.float32),
                       pltpu.SemaphoreType.DMA,
                       pltpu.SemaphoreType.DMA],
    )
    Wg, bg = sc_gather(Wf, bias4, eidx, eg4)
    W3 = Wg.reshape(L, _D, _D)

    sc2 = jnp.stack([jnp.asarray(gate, jnp.float32),
                     jnp.asarray(pe_scale, jnp.float32)])
    a2d = a[0].astype(jnp.float32)
    eidx2 = eidx.reshape(L, 1)
    ids2 = ids32.reshape(L, 1)

    logits2, probs2 = pl.pallas_call(
        _tc_scan_body,
        out_shape=[jax.ShapeDtypeStruct((1, _V), jnp.float32),
                   jax.ShapeDtypeStruct((1, _V), jnp.float32)],
        in_specs=[pl.BlockSpec(memory_space=pltpu.VMEM)] * 7
        + [pl.BlockSpec(memory_space=pltpu.SMEM)],
        out_specs=[pl.BlockSpec(memory_space=pltpu.VMEM)] * 2,
        scratch_shapes=[pltpu.VMEM((L, _D), jnp.float32),
                        pltpu.VMEM((L, _D, 1), jnp.float32),
                        pltpu.VMEM((L, _D, _D), jnp.float32)],
    )(W3, bg, eidx2, ids2, PE_cache, a2d, bias_table, sc2)
    return logits2[0], probs2[0]

# --- scband reference (transcript-rebuilt; emitter-appended) ---
"""Pipeline reference for scband-bri-llmnode-bias-49435073577714 (READ-ONLY COPY).

The authoritative reference and input builder live on the scoring server;
editing this copy changes nothing except your own understanding.
"""

import math
import jax, jax.numpy as jnp
import numpy as np

V = 4096
D = 32
E = 50000
L = 512


def get_positional_encoding(seq_len, d_model):
    position = np.arange(0, seq_len, dtype=np.float32)[:, None]
    div_term = np.exp(np.arange(0, d_model, 2, dtype=np.float32) * (-math.log(10000.0) / d_model))
    pe = np.zeros((seq_len, d_model), dtype=np.float32)
    pe[:, 0::2] = np.sin(position * div_term)
    pe[:, 1::2] = np.cos(position * div_term)
    return jnp.asarray(pe)


def setup_inputs(seed: int = 0):
    key = jax.random.key(seed)
    ks = jax.random.split(key, 9)
    ids = jax.random.randint(ks[0], (L,), 0, V, dtype=jnp.int32)
    eids = jax.random.randint(ks[1], (L - 1,), 0, E, dtype=jnp.int32)
    bias_table = jax.random.uniform(ks[2], (V, D), minval=-0.5, maxval=0.5, dtype=jnp.float32)
    W = jax.random.uniform(ks[3], (E, D, D), minval=-0.5, maxval=0.5, dtype=jnp.float32)
    bias = jax.random.uniform(ks[4], (E, D), minval=-0.5, maxval=0.5, dtype=jnp.float32)
    W_shared = jax.random.uniform(ks[5], (D, D), minval=-0.5, maxval=0.5, dtype=jnp.float32)
    bias_shared = jax.random.uniform(ks[6], (D,), minval=-0.5, maxval=0.5, dtype=jnp.float32)
    a = jnp.ones((1, L, 1), dtype=jnp.float32)
    gate = jnp.asarray(0.1, dtype=jnp.float32)
    pe_scale = jnp.asarray(0.5, dtype=jnp.float32)
    PE_cache = get_positional_encoding(L, D)
    return {"ids": ids, "eids": eids, "bias_table": bias_table, "W": W, "bias": bias, "W_shared": W_shared, "bias_shared": bias_shared, "a": a, "gate": gate, "pe_scale": pe_scale, "PE_cache": PE_cache}


def reference(ids, eids, bias_table, W, bias, W_shared, bias_shared, a, gate, pe_scale, PE_cache):
    Lc = ids.shape[0]
    # node signals: per-node bias + scaled positional encoding, modulated by learned per-position amplitude a
    h = jnp.take(bias_table, ids, axis=0) + pe_scale * PE_cache[:Lc]
    h = h * a[0, :Lc, :]
    # edge parameter pools: per-edge matrices plus shared fallback entry at index E
    W_pool = jnp.concatenate([W, W_shared[None]], axis=0)
    b_pool = jnp.concatenate([bias, bias_shared[None]], axis=0)
    We = jnp.take(W_pool, eids, axis=0)  # [L-1, D, D] gather from big table (memory-bound)
    be = jnp.take(b_pool, eids, axis=0)  # [L-1, D]

    def step(e, xs):
        Wt, bt, ht = xs
        e_new = jnp.tanh(Wt @ e + bt + ht)
        e = gate * e_new + (1.0 - gate) * e
        return e, None

    e_final, _ = jax.lax.scan(step, h[0], (We, be, h[1:]))
    logits = bias_table @ e_final  # [V]
    probs = jax.nn.softmax(logits, axis=-1)
    return (logits, probs)

if __name__ == "__main__":
    import jax
    _d = setup_inputs()
    print(jax.jit(kernel)(*tuple(_d.values())))

</pallas_src>

<mosaic_0001>
#map = affine_map<(d0, d1) -> (0, 0)>
#map1 = affine_map<(d0, d1) -> (0)>
module attributes {stable_mosaic.version = 14 : i64} {
  func.func @_sc_gather_body(%arg0: i32, %arg1: i32, %arg2: memref<50000x1024xf32, #tpu.memory_space<hbm>>, %arg3: memref<12500x128xf32, #tpu.memory_space<hbm>>, %arg4: memref<512xi32, #tpu.memory_space<hbm>>, %arg5: memref<512xi32, #tpu.memory_space<hbm>>, %arg6: memref<512x1024xf32, #tpu.memory_space<hbm>>, %arg7: memref<512x128xf32, #tpu.memory_space<hbm>>, %arg8: memref<16xi32, #tpu.memory_space<vmem>>, %arg9: memref<16xi32, #tpu.memory_space<vmem>>, %arg10: memref<16x1024xf32, #tpu.memory_space<vmem>>, %arg11: memref<16x128xf32, #tpu.memory_space<vmem>>, %arg12: memref<!tpu.dma_semaphore, #tpu.memory_space<semaphore_mem>>, %arg13: memref<!tpu.dma_semaphore, #tpu.memory_space<semaphore_mem>>) attributes {dimension_semantics = [#tpu.dimension_semantics<core_parallel>, #tpu.dimension_semantics<subcore_parallel>], iteration_bounds = array<i64: 2, 16>, scalar_prefetch = 0 : i64, scratch_operands = 6 : i64, tpu.core_type = #tpu.core_type<sc_vector_subcore>, window_params = [{transform_indices = #map}, {transform_indices = #map}, {transform_indices = #map1}, {transform_indices = #map1}, {transform_indices = #map}, {transform_indices = #map}]} {
    %mul3A = arith.constant 2 : i32
    %mul3A_0 = arith.muli %arg1, %mul3A : i32
    %add3A = arith.addi %mul3A_0, %arg0 : i32
    %mul3A_1 = arith.constant 16 : i32
    %mul3A_2 = arith.muli %add3A, %mul3A_1 : i32
    "tpu.region"() ({
      %run_scoped3A = tpu.sem_alloc : memref<!tpu.dma_semaphore, #tpu.memory_space<semaphore_mem>>
      %dma_start3A_13 = tpu.memref_slice %arg4[%mul3A_2] : memref<512xi32, #tpu.memory_space<hbm>> -> memref<16xi32, #tpu.memory_space<hbm>>
      %dma_start3A_14 = tpu.memref_slice %arg4[%mul3A_2] : memref<512xi32, #tpu.memory_space<hbm>> -> memref<16xi32, #tpu.memory_space<hbm>>
      tpu.enqueue_dma source(%dma_start3A_14 : memref<16xi32, #tpu.memory_space<hbm>>) target(%arg8 : memref<16xi32, #tpu.memory_space<vmem>>) target_semaphore(%run_scoped3A : memref<!tpu.dma_semaphore, #tpu.memory_space<semaphore_mem>>)
      %dma_wait3A_15 = tpu.memref_slice %arg4[%mul3A_2] : memref<512xi32, #tpu.memory_space<hbm>> -> memref<16xi32, #tpu.memory_space<hbm>>
      %dma_wait3A_16 = tpu.memref_slice %arg4[%mul3A_2] : memref<512xi32, #tpu.memory_space<hbm>> -> memref<16xi32, #tpu.memory_space<hbm>>
      tpu.wait_dma2 semaphore(%run_scoped3A : memref<!tpu.dma_semaphore, #tpu.memory_space<semaphore_mem>>) src(%dma_wait3A_16 : memref<16xi32, #tpu.memory_space<hbm>>) dst(%arg8 : memref<16xi32, #tpu.memory_space<vmem>>)
      tpu.yield
    }) : () -> ()
    "tpu.region"() ({
      %run_scoped3A = tpu.sem_alloc : memref<!tpu.dma_semaphore, #tpu.memory_space<semaphore_mem>>
      %dma_start3A_13 = tpu.memref_slice %arg5[%mul3A_2] : memref<512xi32, #tpu.memory_space<hbm>> -> memref<16xi32, #tpu.memory_space<hbm>>
      %dma_start3A_14 = tpu.memref_slice %arg5[%mul3A_2] : memref<512xi32, #tpu.memory_space<hbm>> -> memref<16xi32, #tpu.memory_space<hbm>>
      tpu.enqueue_dma source(%dma_start3A_14 : memref<16xi32, #tpu.memory_space<hbm>>) target(%arg9 : memref<16xi32, #tpu.memory_space<vmem>>) target_semaphore(%run_scoped3A : memref<!tpu.dma_semaphore, #tpu.memory_space<semaphore_mem>>)
      %dma_wait3A_15 = tpu.memref_slice %arg5[%mul3A_2] : memref<512xi32, #tpu.memory_space<hbm>> -> memref<16xi32, #tpu.memory_space<hbm>>
      %dma_wait3A_16 = tpu.memref_slice %arg5[%mul3A_2] : memref<512xi32, #tpu.memory_space<hbm>> -> memref<16xi32, #tpu.memory_space<hbm>>
      tpu.wait_dma2 semaphore(%run_scoped3A : memref<!tpu.dma_semaphore, #tpu.memory_space<semaphore_mem>>) src(%dma_wait3A_16 : memref<16xi32, #tpu.memory_space<hbm>>) dst(%arg9 : memref<16xi32, #tpu.memory_space<vmem>>)
      tpu.yield
    }) : () -> ()
    %dma_start3A = arith.constant 0 : i32
    %dma_start3A_3 = arith.constant 0 : i32
    %dma_start3A_4 = tpu.memref_slice %arg2[%dma_start3A, %dma_start3A_3] : memref<50000x1024xf32, #tpu.memory_space<hbm>> -> memref<50000x1024xf32, #tpu.memory_space<hbm>>
    tpu.enqueue_indirect_dma source(%dma_start3A_4 : memref<50000x1024xf32, #tpu.memory_space<hbm>>) target(%arg10 : memref<16x1024xf32, #tpu.memory_space<vmem>>) offsets(%arg8 : memref<16xi32, #tpu.memory_space<vmem>>) semaphore(%arg12 : memref<!tpu.dma_semaphore, #tpu.memory_space<semaphore_mem>>)
    %dma_start3A_5 = arith.constant 0 : i32
    %dma_start3A_6 = arith.constant 0 : i32
    %dma_start3A_7 = tpu.memref_slice %arg3[%dma_start3A_5, %dma_start3A_6] : memref<12500x128xf32, #tpu.memory_space<hbm>> -> memref<12500x128xf32, #tpu.memory_space<hbm>>
    tpu.enqueue_indirect_dma source(%dma_start3A_7 : memref<12500x128xf32, #tpu.memory_space<hbm>>) target(%arg11 : memref<16x128xf32, #tpu.memory_space<vmem>>) offsets(%arg9 : memref<16xi32, #tpu.memory_space<vmem>>) semaphore(%arg13 : memref<!tpu.dma_semaphore, #tpu.memory_space<semaphore_mem>>)
    %dma_wait3A = arith.constant 0 : i32
    %dma_wait3A_8 = arith.constant 0 : i32
    %dma_wait3A_9 = tpu.memref_slice %arg2[%dma_wait3A, %dma_wait3A_8] : memref<50000x1024xf32, #tpu.memory_space<hbm>> -> memref<50000x1024xf32, #tpu.memory_space<hbm>>
    tpu.wait_indirect_dma semaphore(%arg12 : memref<!tpu.dma_semaphore, #tpu.memory_space<semaphore_mem>>) src(%dma_wait3A_9 : memref<50000x1024xf32, #tpu.memory_space<hbm>>) dst(%arg10 : memref<16x1024xf32, #tpu.memory_space<vmem>>)
    %dma_wait3A_10 = arith.constant 0 : i32
    %dma_wait3A_11 = arith.constant 0 : i32
    %dma_wait3A_12 = tpu.memref_slice %arg3[%dma_wait3A_10, %dma_wait3A_11] : memref<12500x128xf32, #tpu.memory_space<hbm>> -> memref<12500x128xf32, #tpu.memory_space<hbm>>
    tpu.wait_indirect_dma semaphore(%arg13 : memref<!tpu.dma_semaphore, #tpu.memory_space<semaphore_mem>>) src(%dma_wait3A_12 : memref<12500x128xf32, #tpu.memory_space<hbm>>) dst(%arg11 : memref<16x128xf32, #tpu.memory_space<vmem>>)
    "tpu.region"() ({
      %run_scoped3A = tpu.sem_alloc : memref<!tpu.dma_semaphore, #tpu.memory_space<semaphore_mem>>
      %dma_start3A_13 = arith.constant 0 : i32
      %dma_start3A_14 = tpu.memref_slice %arg6[%mul3A_2, %dma_start3A_13] : memref<512x1024xf32, #tpu.memory_space<hbm>> -> memref<16x1024xf32, #tpu.memory_space<hbm>>
      %dma_start3A_15 = arith.constant 0 : i32
      %dma_start3A_16 = tpu.memref_slice %arg6[%mul3A_2, %dma_start3A_15] : memref<512x1024xf32, #tpu.memory_space<hbm>> -> memref<16x1024xf32, #tpu.memory_space<hbm>>
      tpu.enqueue_dma source(%arg10 : memref<16x1024xf32, #tpu.memory_space<vmem>>) target(%dma_start3A_16 : memref<16x1024xf32, #tpu.memory_space<hbm>>) target_semaphore(%run_scoped3A : memref<!tpu.dma_semaphore, #tpu.memory_space<semaphore_mem>>)
      %dma_wait3A_17 = arith.constant 0 : i32
      %dma_wait3A_18 = tpu.memref_slice %arg6[%mul3A_2, %dma_wait3A_17] : memref<512x1024xf32, #tpu.memory_space<hbm>> -> memref<16x1024xf32, #tpu.memory_space<hbm>>
      %dma_wait3A_19 = arith.constant 0 : i32
      %dma_wait3A_20 = tpu.memref_slice %arg6[%mul3A_2, %dma_wait3A_19] : memref<512x1024xf32, #tpu.memory_space<hbm>> -> memref<16x1024xf32, #tpu.memory_space<hbm>>
      tpu.wait_dma2 semaphore(%run_scoped3A : memref<!tpu.dma_semaphore, #tpu.memory_space<semaphore_mem>>) src(%arg10 : memref<16x1024xf32, #tpu.memory_space<vmem>>) dst(%dma_wait3A_20 : memref<16x1024xf32, #tpu.memory_space<hbm>>)
      tpu.yield
    }) : () -> ()
    "tpu.region"() ({
      %run_scoped3A = tpu.sem_alloc : memref<!tpu.dma_semaphore, #tpu.memory_space<semaphore_mem>>
      %dma_start3A_13 = arith.constant 0 : i32
      %dma_start3A_14 = tpu.memref_slice %arg7[%mul3A_2, %dma_start3A_13] : memref<512x128xf32, #tpu.memory_space<hbm>> -> memref<16x128xf32, #tpu.memory_space<hbm>>
      %dma_start3A_15 = arith.constant 0 : i32
      %dma_start3A_16 = tpu.memref_slice %arg7[%mul3A_2, %dma_start3A_15] : memref<512x128xf32, #tpu.memory_space<hbm>> -> memref<16x128xf32, #tpu.memory_space<hbm>>
      tpu.enqueue_dma source(%arg11 : memref<16x128xf32, #tpu.memory_space<vmem>>) target(%dma_start3A_16 : memref<16x128xf32, #tpu.memory_space<hbm>>) target_semaphore(%run_scoped3A : memref<!tpu.dma_semaphore, #tpu.memory_space<semaphore_mem>>)
      %dma_wait3A_17 = arith.constant 0 : i32
      %dma_wait3A_18 = tpu.memref_slice %arg7[%mul3A_2, %dma_wait3A_17] : memref<512x128xf32, #tpu.memory_space<hbm>> -> memref<16x128xf32, #tpu.memory_space<hbm>>
      %dma_wait3A_19 = arith.constant 0 : i32
      %dma_wait3A_20 = tpu.memref_slice %arg7[%mul3A_2, %dma_wait3A_19] : memref<512x128xf32, #tpu.memory_space<hbm>> -> memref<16x128xf32, #tpu.memory_space<hbm>>
      tpu.wait_dma2 semaphore(%run_scoped3A : memref<!tpu.dma_semaphore, #tpu.memory_space<semaphore_mem>>) src(%arg11 : memref<16x128xf32, #tpu.memory_space<vmem>>) dst(%dma_wait3A_20 : memref<16x128xf32, #tpu.memory_space<hbm>>)
      tpu.yield
    }) : () -> ()
    return
  }
}

module attributes {stable_mosaic.version = 14 : i64} {
  func.func @_tc_scan_body(%arg0: memref<512x32x32xf32, #tpu.memory_space<vmem>>, %arg1: memref<512x128xf32, #tpu.memory_space<vmem>>, %arg2: memref<512x1xi32, #tpu.memory_space<vmem>>, %arg3: memref<512x1xi32, #tpu.memory_space<vmem>>, %arg4: memref<512x32xf32, #tpu.memory_space<vmem>>, %arg5: memref<512x1xf32, #tpu.memory_space<vmem>>, %arg6: memref<4096x32xf32, #tpu.memory_space<vmem>>, %arg7: memref<2xf32, #tpu.memory_space<smem>>, %arg8: memref<1x4096xf32, #tpu.memory_space<vmem>>, %arg9: memref<1x4096xf32, #tpu.memory_space<vmem>>, %arg10: memref<512x32xf32, #tpu.memory_space<vmem>>, %arg11: memref<512x32x1xf32, #tpu.memory_space<vmem>>, %arg12: memref<512x32x32xf32, #tpu.memory_space<vmem>>) attributes {dimension_semantics = [], scalar_prefetch = 0 : i64, scratch_operands = 3 : i64, tpu.core_type = #tpu.core_type<tc>} {
    %get3A = arith.constant 0 : index
    %get3A_0 = memref.load %arg7[%get3A] : memref<2xf32, #tpu.memory_space<smem>>
    %get3A_1 = arith.constant 1 : index
    %get3A_2 = memref.load %arg7[%get3A_1] : memref<2xf32, #tpu.memory_space<smem>>
    %iota3A = tpu.iota {dimensions = array<i32: 0>} : vector<32x32xi32>
    %iota3A_3 = tpu.iota {dimensions = array<i32: 1>} : vector<32x32xi32>
    %eq3A = arith.cmpi eq, %iota3A, %iota3A_3 : vector<32x32xi32>
    %jit3A = arith.constant 1.000000e+00 : f32
    %jit3A_4 = arith.constant 0.000000e+00 : f32
    %broadcast_in_dim3A = vector.broadcast %jit3A : f32 to vector<32x32xf32>
    %broadcast_in_dim3A_5 = vector.broadcast %jit3A_4 : f32 to vector<32x32xf32>
    %select_n3A = arith.select %eq3A, %broadcast_in_dim3A, %broadcast_in_dim3A_5 : vector<32x32xi1>, vector<32x32xf32>
    %get3A_6 = arith.constant 0 : index
    %get3A_7 = arith.constant 0 : index
    %get3A_8 = vector.load %arg1[%get3A_6, %get3A_7] : memref<512x128xf32, #tpu.memory_space<vmem>>, vector<512x128xf32>
    %get3A_9 = arith.constant 0 : index
    %get3A_10 = arith.constant 0 : index
    %get3A_11 = vector.load %arg2[%get3A_9, %get3A_10] : memref<512x1xi32, #tpu.memory_space<vmem>>, vector<512x1xi32>
    %and3A = arith.constant 3 : i32
    %and3A_12 = vector.broadcast %and3A : i32 to vector<512x1xi32>
    %and3A_13 = arith.andi %get3A_11, %and3A_12 : vector<512x1xi32>
    %iota3A_14 = tpu.iota {dimensions = array<i32: 1>} : vector<1x128xi32>
    %jit3A_15 = arith.constant 32 : i32
    %div3A = vector.broadcast %jit3A_15 : i32 to vector<1x128xi32>
    %div3A_16 = arith.divsi %iota3A_14, %div3A : vector<1x128xi32>
    %sign3A = arith.constant 0 : i32
    %sign3A_17 = vector.broadcast %sign3A : i32 to vector<1x128xi32>
    %sign3A_18 = arith.cmpi sgt, %iota3A_14, %sign3A_17 : vector<1x128xi32>
    %sign3A_19 = arith.extui %sign3A_18 : vector<1x128xi1> to vector<1x128xi32>
    %sign3A_20 = arith.constant 0 : i32
    %sign3A_21 = vector.broadcast %sign3A_20 : i32 to vector<1x128xi32>
    %sign3A_22 = arith.cmpi slt, %iota3A_14, %sign3A_21 : vector<1x128xi32>
    %sign3A_23 = arith.extui %sign3A_22 : vector<1x128xi1> to vector<1x128xi32>
    %sign3A_24 = arith.subi %sign3A_19, %sign3A_23 : vector<1x128xi32>
    %sign3A_25 = arith.constant 0 : i32
    %sign3A_26 = arith.cmpi sgt, %jit3A_15, %sign3A_25 : i32
    %sign3A_27 = arith.extui %sign3A_26 : i1 to i32
    %sign3A_28 = arith.constant 0 : i32
    %sign3A_29 = arith.cmpi slt, %jit3A_15, %sign3A_28 : i32
    %sign3A_30 = arith.extui %sign3A_29 : i1 to i32
    %sign3A_31 = arith.subi %sign3A_27, %sign3A_30 : i32
    %ne3A = vector.broadcast %sign3A_31 : i32 to vector<1x128xi32>
    %ne3A_32 = arith.cmpi ne, %sign3A_24, %ne3A : vector<1x128xi32>
    %rem3A = vector.broadcast %jit3A_15 : i32 to vector<1x128xi32>
    %rem3A_33 = arith.remsi %iota3A_14, %rem3A : vector<1x128xi32>
    %ne3A_34 = arith.constant 0 : i32
    %ne3A_35 = vector.broadcast %ne3A_34 : i32 to vector<1x128xi32>
    %ne3A_36 = arith.cmpi ne, %rem3A_33, %ne3A_35 : vector<1x128xi32>
    %and3A_37 = arith.andi %ne3A_32, %ne3A_36 : vector<1x128xi1>
    %sub3A = arith.constant 1 : i32
    %sub3A_38 = vector.broadcast %sub3A : i32 to vector<1x128xi32>
    %sub3A_39 = arith.subi %div3A_16, %sub3A_38 : vector<1x128xi32>
    %select_n3A_40 = arith.select %and3A_37, %sub3A_39, %div3A_16 : vector<1x128xi1>, vector<1x128xi32>
    %eq3A_41 = vector.broadcast %select_n3A_40 : vector<1x128xi32> to vector<512x128xi32>
    %eq3A_42 = vector.broadcast %and3A_13 : vector<512x1xi32> to vector<512x128xi32>
    %eq3A_43 = arith.cmpi eq, %eq3A_41, %eq3A_42 : vector<512x128xi32>
    %jit3A_44 = arith.constant 0.000000e+00 : f32
    %broadcast_in_dim3A_45 = vector.broadcast %jit3A_44 : f32 to vector<512x128xf32>
    %select_n3A_46 = arith.select %eq3A_43, %get3A_8, %broadcast_in_dim3A_45 : vector<512x128xi1>, vector<512x128xf32>
    %slice3A = vector.extract_strided_slice %select_n3A_46 {offsets = [0, 0], sizes = [512, 32], strides = [1, 1]} : vector<512x128xf32> to vector<512x32xf32>
    %slice3A_47 = vector.extract_strided_slice %select_n3A_46 {offsets = [0, 32], sizes = [512, 32], strides = [1, 1]} : vector<512x128xf32> to vector<512x32xf32>
    %add3A = arith.addf %slice3A, %slice3A_47 : vector<512x32xf32>
    %slice3A_48 = vector.extract_strided_slice %select_n3A_46 {offsets = [0, 64], sizes = [512, 32], strides = [1, 1]} : vector<512x128xf32> to vector<512x32xf32>
    %add3A_49 = arith.addf %add3A, %slice3A_48 : vector<512x32xf32>
    %slice3A_50 = vector.extract_strided_slice %select_n3A_46 {offsets = [0, 96], sizes = [512, 32], strides = [1, 1]} : vector<512x128xf32> to vector<512x32xf32>
    %add3A_51 = arith.addf %add3A_49, %slice3A_50 : vector<512x32xf32>
    %get3A_52 = arith.constant 0 : index
    %get3A_53 = arith.constant 0 : index
    %get3A_54 = vector.load %arg3[%get3A_52, %get3A_53] : memref<512x1xi32, #tpu.memory_space<vmem>>, vector<512x1xi32>
    %iota3A_55 = tpu.iota {dimensions = array<i32: 1>} : vector<1x4096xi32>
    %eq3A_56 = vector.broadcast %get3A_54 : vector<512x1xi32> to vector<512x4096xi32>
    %eq3A_57 = vector.broadcast %iota3A_55 : vector<1x4096xi32> to vector<512x4096xi32>
    %eq3A_58 = arith.cmpi eq, %eq3A_56, %eq3A_57 : vector<512x4096xi32>
    %jit3A_59 = arith.constant 1.000000e+00 : f32
    %jit3A_60 = arith.constant 0.000000e+00 : f32
    %broadcast_in_dim3A_61 = vector.broadcast %jit3A_59 : f32 to vector<512x4096xf32>
    %broadcast_in_dim3A_62 = vector.broadcast %jit3A_60 : f32 to vector<512x4096xf32>
    %select_n3A_63 = arith.select %eq3A_58, %broadcast_in_dim3A_61, %broadcast_in_dim3A_62 : vector<512x4096xi1>, vector<512x4096xf32>
    %get3A_64 = arith.constant 0 : index
    %get3A_65 = arith.constant 0 : index
    %get3A_66 = vector.load %arg6[%get3A_64, %get3A_65] : memref<4096x32xf32, #tpu.memory_space<vmem>>, vector<4096x32xf32>
    %dot_general3A = arith.constant dense<0.000000e+00> : vector<512x32xf32>
    %dot_general3A_67 = tpu.matmul %select_n3A_63, %get3A_66, %dot_general3A {dimension_numbers = #tpu.dot_dimension_numbers<[1], [0], [0], [1], [0, 0, 1, 1], [], []>, transpose_lhs_hint = false} : vector<512x4096xf32>, vector<4096x32xf32>, vector<512x32xf32> -> vector<512x32xf32>
    %get3A_68 = arith.constant 0 : index
    %get3A_69 = arith.constant 0 : index
    %get3A_70 = vector.load %arg4[%get3A_68, %get3A_69] : memref<512x32xf32, #tpu.memory_space<vmem>>, vector<512x32xf32>
    %mul3A = vector.broadcast %get3A_2 : f32 to vector<512x32xf32>
    %mul3A_71 = arith.mulf %mul3A, %get3A_70 : vector<512x32xf32>
    %add3A_72 = arith.addf %dot_general3A_67, %mul3A_71 : vector<512x32xf32>
    %get3A_73 = arith.constant 0 : index
    %get3A_74 = arith.constant 0 : index
    %get3A_75 = vector.load %arg5[%get3A_73, %get3A_74] : memref<512x1xf32, #tpu.memory_space<vmem>>, vector<512x1xf32>
    %mul3A_76 = vector.broadcast %get3A_75 : vector<512x1xf32> to vector<512x32xf32>
    %mul3A_77 = arith.mulf %add3A_72, %mul3A_76 : vector<512x32xf32>
    %slice3A_78 = vector.extract_strided_slice %add3A_51 {offsets = [0, 0], sizes = [511, 32], strides = [1, 1]} : vector<512x32xf32> to vector<511x32xf32>
    %slice3A_79 = vector.extract_strided_slice %mul3A_77 {offsets = [1, 0], sizes = [511, 32], strides = [1, 1]} : vector<512x32xf32> to vector<511x32xf32>
    %add3A_80 = arith.addf %slice3A_78, %slice3A_79 : vector<511x32xf32>
    %swap3A = arith.constant 0 : index
    %swap3A_81 = arith.constant 0 : index
    %swap3A_82 = vector.load %arg10[%swap3A, %swap3A_81] : memref<512x32xf32, #tpu.memory_space<vmem>>, vector<511x32xf32>
    tpu.vector_store %arg10[%swap3A, %swap3A_81], %add3A_80 {strides = array<i32>} : memref<512x32xf32, #tpu.memory_space<vmem>>, vector<511x32xf32>,
    %broadcast_in_dim3A_83 = vector.shape_cast %select_n3A : vector<32x32xf32> to vector<1x32x32xf32>
    %broadcast_in_dim3A_84 = vector.shape_cast %add3A_80 : vector<511x32xf32> to vector<511x1x32xf32>
    %mul3A_85 = vector.broadcast %broadcast_in_dim3A_83 : vector<1x32x32xf32> to vector<511x32x32xf32>
    %mul3A_86 = vector.broadcast %broadcast_in_dim3A_84 : vector<511x1x32xf32> to vector<511x32x32xf32>
    %mul3A_87 = arith.mulf %mul3A_85, %mul3A_86 : vector<511x32x32xf32>
    %reduce_sum3A = arith.constant dense<0.000000e+00> : vector<511x32xf32>
    %reduce_sum3A_88 = vector.multi_reduction <add>, %mul3A_87, %reduce_sum3A [2] : vector<511x32x32xf32> to vector<511x32xf32>
    %broadcast_in_dim3A_89 = vector.shape_cast %reduce_sum3A_88 : vector<511x32xf32> to vector<511x32x1xf32>
    %swap3A_90 = arith.constant 0 : index
    %swap3A_91 = arith.constant 0 : index
    %swap3A_92 = arith.constant 0 : index
    %swap3A_93 = vector.load %arg11[%swap3A_90, %swap3A_91, %swap3A_92] : memref<512x32x1xf32, #tpu.memory_space<vmem>>, vector<511x32x1xf32>
    tpu.vector_store %arg11[%swap3A_90, %swap3A_91, %swap3A_92], %broadcast_in_dim3A_89 {strides = array<i32>} : memref<512x32x1xf32, #tpu.memory_space<vmem>>, vector<511x32x1xf32>,
    %get3A_94 = arith.constant 0 : index
    %get3A_95 = arith.constant 0 : index
    %get3A_96 = arith.constant 0 : index
    %get3A_97 = vector.load %arg0[%get3A_94, %get3A_95, %get3A_96] : memref<512x32x32xf32, #tpu.memory_space<vmem>>, vector<512x32x32xf32>
    %dot_general3A_98 = arith.constant dense<0.000000e+00> : vector<512x32x32xf32>
    %dot_general3A_99 = tpu.matmul %get3A_97, %select_n3A, %dot_general3A_98 {dimension_numbers = #tpu.dot_dimension_numbers<[1], [0], [0, 2], [1], [0, 0, 0, 2, 1, 1], [], []>, transpose_lhs_hint = false} : vector<512x32x32xf32>, vector<32x32xf32>, vector<512x32x32xf32> -> vector<512x32x32xf32>
    %swap3A_100 = arith.constant 0 : index
    %swap3A_101 = arith.constant 0 : index
    %swap3A_102 = arith.constant 0 : index
    %swap3A_103 = vector.load %arg12[%swap3A_100, %swap3A_101, %swap3A_102] : memref<512x32x32xf32, #tpu.memory_space<vmem>>, vector<512x32x32xf32>
    tpu.vector_store %arg12[%swap3A_100, %swap3A_101, %swap3A_102], %dot_general3A_99 {strides = array<i32>} : memref<512x32x32xf32, #tpu.memory_space<vmem>>, vector<512x32x32xf32>,
    %slice3A_104 = vector.extract_strided_slice %mul3A_77 {offsets = [0, 0], sizes = [1, 32], strides = [1, 1]} : vector<512x32xf32> to vector<1x32xf32>
    %scan3A = arith.constant 0 : i32
    %scan3A_105 = arith.constant 255 : i32
    %scan3A_106 = arith.addi %scan3A, %scan3A_105 : i32
    %scan3A_107 = arith.constant 5 : i32
    %scan3A_108 = scf.for %scan3A_164 = %scan3A to %scan3A_106 step %scan3A_107 iter_args(%scan3A_165 = %slice3A_104) -> (vector<1x32xf32>)  : i32 {
      %mul3A_166 = arith.constant 2 : i32
      %mul3A_167 = arith.muli %mul3A_166, %scan3A_164 : i32
      %add3A_168 = arith.constant 1 : i32
      %add3A_169 = arith.addi %mul3A_167, %add3A_168 : i32
      %mul3A_170 = arith.constant 2 : i32
      %mul3A_171 = arith.muli %mul3A_170, %scan3A_164 : i32
      %broadcast_in_dim3A_172 = vector.shape_cast %scan3A_165 : vector<1x32xf32> to vector<1x32xf32>
      %broadcast_in_dim3A_173 = vector.broadcast %broadcast_in_dim3A_172 : vector<1x32xf32> to vector<32x32xf32>
      %get3A_174 = arith.index_cast %mul3A_171 : i32 to index
      %get3A_175 = arith.constant 0 : index
      %get3A_176 = arith.constant 0 : index
      %get3A_177 = vector.load %arg0[%get3A_174, %get3A_175, %get3A_176] : memref<512x32x32xf32, #tpu.memory_space<vmem>>, vector<1x32x32xf32>
      %get3A_178 = vector.shape_cast %get3A_177 : vector<1x32x32xf32> to vector<32x32xf32>
      %mul3A_179 = arith.mulf %get3A_178, %broadcast_in_dim3A_173 : vector<32x32xf32>
      %reduce_sum3A_180 = arith.constant dense<0.000000e+00> : vector<32xf32>
      %reduce_sum3A_181 = vector.multi_reduction <add>, %mul3A_179, %reduce_sum3A_180 [1] : vector<32x32xf32> to vector<32xf32>
      %broadcast_in_dim3A_182 = vector.shape_cast %reduce_sum3A_181 : vector<32xf32> to vector<32x1xf32>
      %mul3A_183 = arith.mulf %select_n3A, %broadcast_in_dim3A_173 : vector<32x32xf32>
      %reduce_sum3A_184 = arith.constant dense<0.000000e+00> : vector<32xf32>
      %reduce_sum3A_185 = vector.multi_reduction <add>, %mul3A_183, %reduce_sum3A_184 [1] : vector<32x32xf32> to vector<32xf32>
      %broadcast_in_dim3A_186 = vector.shape_cast %reduce_sum3A_185 : vector<32xf32> to vector<32x1xf32>
      %get3A_187 = arith.index_cast %mul3A_171 : i32 to index
      %get3A_188 = arith.constant 0 : index
      %get3A_189 = arith.constant 0 : index
      %get3A_190 = vector.load %arg11[%get3A_187, %get3A_188, %get3A_189] : memref<512x32x1xf32, #tpu.memory_space<vmem>>, vector<1x32x1xf32>
      %get3A_191 = vector.shape_cast %get3A_190 : vector<1x32x1xf32> to vector<32x1xf32>
      %add3A_192 = arith.addf %broadcast_in_dim3A_182, %get3A_191 : vector<32x1xf32>
      %tanh3A_193 = math.tanh %add3A_192 : vector<32x1xf32>
      %mul3A_194 = vector.broadcast %get3A_0 : f32 to vector<32x1xf32>
      %mul3A_195 = arith.mulf %mul3A_194, %tanh3A_193 : vector<32x1xf32>
      %sub3A_196 = arith.constant 1.000000e+00 : f32
      %sub3A_197 = arith.subf %sub3A_196, %get3A_0 : f32
      %mul3A_198 = vector.broadcast %sub3A_197 : f32 to vector<32x1xf32>
      %mul3A_199 = arith.mulf %mul3A_198, %broadcast_in_dim3A_186 : vector<32x1xf32>
      %add3A_200 = arith.addf %mul3A_195, %mul3A_199 : vector<32x1xf32>
      %broadcast_in_dim3A_201 = vector.shape_cast %add3A_200 : vector<32x1xf32> to vector<32x1xf32>
      %broadcast_in_dim3A_202 = vector.broadcast %broadcast_in_dim3A_201 : vector<32x1xf32> to vector<32x32xf32>
      %get3A_203 = arith.index_cast %add3A_169 : i32 to index
      %get3A_204 = arith.constant 0 : index
      %get3A_205 = arith.constant 0 : index
      %get3A_206 = vector.load %arg12[%get3A_203, %get3A_204, %get3A_205] : memref<512x32x32xf32, #tpu.memory_space<vmem>>, vector<1x32x32xf32>
      %get3A_207 = vector.shape_cast %get3A_206 : vector<1x32x32xf32> to vector<32x32xf32>
      %mul3A_208 = arith.mulf %get3A_207, %broadcast_in_dim3A_202 : vector<32x32xf32>
      %reduce_sum3A_209 = arith.constant dense<0.000000e+00> : vector<32xf32>
      %reduce_sum3A_210 = vector.multi_reduction <add>, %mul3A_208, %reduce_sum3A_209 [0] : vector<32x32xf32> to vector<32xf32>
      %broadcast_in_dim3A_211 = vector.shape_cast %reduce_sum3A_210 : vector<32xf32> to vector<1x32xf32>
      %mul3A_212 = arith.mulf %select_n3A, %broadcast_in_dim3A_202 : vector<32x32xf32>
      %reduce_sum3A_213 = arith.constant dense<0.000000e+00> : vector<32xf32>
      %reduce_sum3A_214 = vector.multi_reduction <add>, %mul3A_212, %reduce_sum3A_213 [0] : vector<32x32xf32> to vector<32xf32>
      %broadcast_in_dim3A_215 = vector.shape_cast %reduce_sum3A_214 : vector<32xf32> to vector<1x32xf32>
      %get3A_216 = arith.index_cast %add3A_169 : i32 to index
      %get3A_217 = arith.constant 0 : index
      %get3A_218 = vector.load %arg10[%get3A_216, %get3A_217] : memref<512x32xf32, #tpu.memory_space<vmem>>, vector<1x32xf32>
      %add3A_219 = arith.addf %broadcast_in_dim3A_211, %get3A_218 : vector<1x32xf32>
      %tanh3A_220 = math.tanh %add3A_219 : vector<1x32xf32>
      %mul3A_221 = vector.broadcast %get3A_0 : f32 to vector<1x32xf32>
      %mul3A_222 = arith.mulf %mul3A_221, %tanh3A_220 : vector<1x32xf32>
      %sub3A_223 = arith.constant 1.000000e+00 : f32
      %sub3A_224 = arith.subf %sub3A_223, %get3A_0 : f32
      %mul3A_225 = vector.broadcast %sub3A_224 : f32 to vector<1x32xf32>
      %mul3A_226 = arith.mulf %mul3A_225, %broadcast_in_dim3A_215 : vector<1x32xf32>
      %add3A_227 = arith.addf %mul3A_222, %mul3A_226 : vector<1x32xf32>
      %scan3A_228 = arith.constant 1 : i32
      %scan3A_229 = arith.addi %scan3A_164, %scan3A_228 : i32
      %mul3A_230 = arith.constant 2 : i32
      %mul3A_231 = arith.muli %mul3A_230, %scan3A_229 : i32
      %add3A_232 = arith.constant 1 : i32
      %add3A_233 = arith.addi %mul3A_231, %add3A_232 : i32
      %mul3A_234 = arith.constant 2 : i32
      %mul3A_235 = arith.muli %mul3A_234, %scan3A_229 : i32
      %broadcast_in_dim3A_236 = vector.shape_cast %add3A_227 : vector<1x32xf32> to vector<1x32xf32>
      %broadcast_in_dim3A_237 = vector.broadcast %broadcast_in_dim3A_236 : vector<1x32xf32> to vector<32x32xf32>
      %get3A_238 = arith.index_cast %mul3A_235 : i32 to index
      %get3A_239 = arith.constant 0 : index
      %get3A_240 = arith.constant 0 : index
      %get3A_241 = vector.load %arg0[%get3A_238, %get3A_239, %get3A_240] : memref<512x32x32xf32, #tpu.memory_space<vmem>>, vector<1x32x32xf32>
      %get3A_242 = vector.shape_cast %get3A_241 : vector<1x32x32xf32> to vector<32x32xf32>
      %mul3A_243 = arith.mulf %get3A_242, %broadcast_in_dim3A_237 : vector<32x32xf32>
      %reduce_sum3A_244 = arith.constant dense<0.000000e+00> : vector<32xf32>
      %reduce_sum3A_245 = vector.multi_reduction <add>, %mul3A_243, %reduce_sum3A_244 [1] : vector<32x32xf32> to vector<32xf32>
      %broadcast_in_dim3A_246 = vector.shape_cast %reduce_sum3A_245 : vector<32xf32> to vector<32x1xf32>
      %mul3A_247 = arith.mulf %select_n3A, %broadcast_in_dim3A_237 : vector<32x32xf32>
      %reduce_sum3A_248 = arith.constant dense<0.000000e+00> : vector<32xf32>
      %reduce_sum3A_249 = vector.multi_reduction <add>, %mul3A_247, %reduce_sum3A_248 [1] : vector<32x32xf32> to vector<32xf32>
      %broadcast_in_dim3A_250 = vector.shape_cast %reduce_sum3A_249 : vector<32xf32> to vector<32x1xf32>
      %get3A_251 = arith.index_cast %mul3A_235 : i32 to index
      %get3A_252 = arith.constant 0 : index
      %get3A_253 = arith.constant 0 : index
      %get3A_254 = vector.load %arg11[%get3A_251, %get3A_252, %get3A_253] : memref<512x32x1xf32, #tpu.memory_space<vmem>>, vector<1x32x1xf32>
      %get3A_255 = vector.shape_cast %get3A_254 : vector<1x32x1xf32> to vector<32x1xf32>
      %add3A_256 = arith.addf %broadcast_in_dim3A_246, %get3A_255 : vector<32x1xf32>
      %tanh3A_257 = math.tanh %add3A_256 : vector<32x1xf32>
      %mul3A_258 = vector.broadcast %get3A_0 : f32 to vector<32x1xf32>
      %mul3A_259 = arith.mulf %mul3A_258, %tanh3A_257 : vector<32x1xf32>
      %sub3A_260 = arith.constant 1.000000e+00 : f32
      %sub3A_261 = arith.subf %sub3A_260, %get3A_0 : f32
      %mul3A_262 = vector.broadcast %sub3A_261 : f32 to vector<32x1xf32>
      %mul3A_263 = arith.mulf %mul3A_262, %broadcast_in_dim3A_250 : vector<32x1xf32>
      %add3A_264 = arith.addf %mul3A_259, %mul3A_263 : vector<32x1xf32>
      %broadcast_in_dim3A_265 = vector.shape_cast %add3A_264 : vector<32x1xf32> to vector<32x1xf32>
      %broadcast_in_dim3A_266 = vector.broadcast %broadcast_in_dim3A_265 : vector<32x1xf32> to vector<32x32xf32>
      %get3A_267 = arith.index_cast %add3A_233 : i32 to index
      %get3A_268 = arith.constant 0 : index
      %get3A_269 = arith.constant 0 : index
      %get3A_270 = vector.load %arg12[%get3A_267, %get3A_268, %get3A_269] : memref<512x32x32xf32, #tpu.memory_space<vmem>>, vector<1x32x32xf32>
      %get3A_271 = vector.shape_cast %get3A_270 : vector<1x32x32xf32> to vector<32x32xf32>
      %mul3A_272 = arith.mulf %get3A_271, %broadcast_in_dim3A_266 : vector<32x32xf32>
      %reduce_sum3A_273 = arith.constant dense<0.000000e+00> : vector<32xf32>
      %reduce_sum3A_274 = vector.multi_reduction <add>, %mul3A_272, %reduce_sum3A_273 [0] : vector<32x32xf32> to vector<32xf32>
      %broadcast_in_dim3A_275 = vector.shape_cast %reduce_sum3A_274 : vector<32xf32> to vector<1x32xf32>
      %mul3A_276 = arith.mulf %select_n3A, %broadcast_in_dim3A_266 : vector<32x32xf32>
      %reduce_sum3A_277 = arith.constant dense<0.000000e+00> : vector<32xf32>
      %reduce_sum3A_278 = vector.multi_reduction <add>, %mul3A_276, %reduce_sum3A_277 [0] : vector<32x32xf32> to vector<32xf32>
      %broadcast_in_dim3A_279 = vector.shape_cast %reduce_sum3A_278 : vector<32xf32> to vector<1x32xf32>
      %get3A_280 = arith.index_cast %add3A_233 : i32 to index
      %get3A_281 = arith.constant 0 : index
      %get3A_282 = vector.load %arg10[%get3A_280, %get3A_281] : memref<512x32xf32, #tpu.memory_space<vmem>>, vector<1x32xf32>
      %add3A_283 = arith.addf %broadcast_in_dim3A_275, %get3A_282 : vector<1x32xf32>
      %tanh3A_284 = math.tanh %add3A_283 : vector<1x32xf32>
      %mul3A_285 = vector.broadcast %get3A_0 : f32 to vector<1x32xf32>
      %mul3A_286 = arith.mulf %mul3A_285, %tanh3A_284 : vector<1x32xf32>
      %sub3A_287 = arith.constant 1.000000e+00 : f32
      %sub3A_288 = arith.subf %sub3A_287, %get3A_0 : f32
      %mul3A_289 = vector.broadcast %sub3A_288 : f32 to vector<1x32xf32>
      %mul3A_290 = arith.mulf %mul3A_289, %broadcast_in_dim3A_279 : vector<1x32xf32>
      %add3A_291 = arith.addf %mul3A_286, %mul3A_290 : vector<1x32xf32>
      %scan3A_292 = arith.constant 2 : i32
      %scan3A_293 = arith.addi %scan3A_164, %scan3A_292 : i32
      %mul3A_294 = arith.constant 2 : i32
      %mul3A_295 = arith.muli %mul3A_294, %scan3A_293 : i32
      %add3A_296 = arith.constant 1 : i32
      %add3A_297 = arith.addi %mul3A_295, %add3A_296 : i32
      %mul3A_298 = arith.constant 2 : i32
      %mul3A_299 = arith.muli %mul3A_298, %scan3A_293 : i32
      %broadcast_in_dim3A_300 = vector.shape_cast %add3A_291 : vector<1x32xf32> to vector<1x32xf32>
      %broadcast_in_dim3A_301 = vector.broadcast %broadcast_in_dim3A_300 : vector<1x32xf32> to vector<32x32xf32>
      %get3A_302 = arith.index_cast %mul3A_299 : i32 to index
      %get3A_303 = arith.constant 0 : index
      %get3A_304 = arith.constant 0 : index
      %get3A_305 = vector.load %arg0[%get3A_302, %get3A_303, %get3A_304] : memref<512x32x32xf32, #tpu.memory_space<vmem>>, vector<1x32x32xf32>
      %get3A_306 = vector.shape_cast %get3A_305 : vector<1x32x32xf32> to vector<32x32xf32>
      %mul3A_307 = arith.mulf %get3A_306, %broadcast_in_dim3A_301 : vector<32x32xf32>
      %reduce_sum3A_308 = arith.constant dense<0.000000e+00> : vector<32xf32>
      %reduce_sum3A_309 = vector.multi_reduction <add>, %mul3A_307, %reduce_sum3A_308 [1] : vector<32x32xf32> to vector<32xf32>
      %broadcast_in_dim3A_310 = vector.shape_cast %reduce_sum3A_309 : vector<32xf32> to vector<32x1xf32>
      %mul3A_311 = arith.mulf %select_n3A, %broadcast_in_dim3A_301 : vector<32x32xf32>
      %reduce_sum3A_312 = arith.constant dense<0.000000e+00> : vector<32xf32>
      %reduce_sum3A_313 = vector.multi_reduction <add>, %mul3A_311, %reduce_sum3A_312 [1] : vector<32x32xf32> to vector<32xf32>
      %broadcast_in_dim3A_314 = vector.shape_cast %reduce_sum3A_313 : vector<32xf32> to vector<32x1xf32>
      %get3A_315 = arith.index_cast %mul3A_299 : i32 to index
      %get3A_316 = arith.constant 0 : index
      %get3A_317 = arith.constant 0 : index
      %get3A_318 = vector.load %arg11[%get3A_315, %get3A_316, %get3A_317] : memref<512x32x1xf32, #tpu.memory_space<vmem>>, vector<1x32x1xf32>
      %get3A_319 = vector.shape_cast %get3A_318 : vector<1x32x1xf32> to vector<32x1xf32>
      %add3A_320 = arith.addf %broadcast_in_dim3A_310, %get3A_319 : vector<32x1xf32>
      %tanh3A_321 = math.tanh %add3A_320 : vector<32x1xf32>
      %mul3A_322 = vector.broadcast %get3A_0 : f32 to vector<32x1xf32>
      %mul3A_323 = arith.mulf %mul3A_322, %tanh3A_321 : vector<32x1xf32>
      %sub3A_324 = arith.constant 1.000000e+00 : f32
      %sub3A_325 = arith.subf %sub3A_324, %get3A_0 : f32
      %mul3A_326 = vector.broadcast %sub3A_325 : f32 to vector<32x1xf32>
      %mul3A_327 = arith.mulf %mul3A_326, %broadcast_in_dim3A_314 : vector<32x1xf32>
      %add3A_328 = arith.addf %mul3A_323, %mul3A_327 : vector<32x1xf32>
      %broadcast_in_dim3A_329 = vector.shape_cast %add3A_328 : vector<32x1xf32> to vector<32x1xf32>
      %broadcast_in_dim3A_330 = vector.broadcast %broadcast_in_dim3A_329 : vector<32x1xf32> to vector<32x32xf32>
      %get3A_331 = arith.index_cast %add3A_297 : i32 to index
      %get3A_332 = arith.constant 0 : index
      %get3A_333 = arith.constant 0 : index
      %get3A_334 = vector.load %arg12[%get3A_331, %get3A_332, %get3A_333] : memref<512x32x32xf32, #tpu.memory_space<vmem>>, vector<1x32x32xf32>
      %get3A_335 = vector.shape_cast %get3A_334 : vector<1x32x32xf32> to vector<32x32xf32>
      %mul3A_336 = arith.mulf %get3A_335, %broadcast_in_dim3A_330 : vector<32x32xf32>
      %reduce_sum3A_337 = arith.constant dense<0.000000e+00> : vector<32xf32>
      %reduce_sum3A_338 = vector.multi_reduction <add>, %mul3A_336, %reduce_sum3A_337 [0] : vector<32x32xf32> to vector<32xf32>
      %broadcast_in_dim3A_339 = vector.shape_cast %reduce_sum3A_338 : vector<32xf32> to vector<1x32xf32>
      %mul3A_340 = arith.mulf %select_n3A, %broadcast_in_dim3A_330 : vector<32x32xf32>
      %reduce_sum3A_341 = arith.constant dense<0.000000e+00> : vector<32xf32>
      %reduce_sum3A_342 = vector.multi_reduction <add>, %mul3A_340, %reduce_sum3A_341 [0] : vector<32x32xf32> to vector<32xf32>
      %broadcast_in_dim3A_343 = vector.shape_cast %reduce_sum3A_342 : vector<32xf32> to vector<1x32xf32>
      %get3A_344 = arith.index_cast %add3A_297 : i32 to index
      %get3A_345 = arith.constant 0 : index
      %get3A_346 = vector.load %arg10[%get3A_344, %get3A_345] : memref<512x32xf32, #tpu.memory_space<vmem>>, vector<1x32xf32>
      %add3A_347 = arith.addf %broadcast_in_dim3A_339, %get3A_346 : vector<1x32xf32>
      %tanh3A_348 = math.tanh %add3A_347 : vector<1x32xf32>
      %mul3A_349 = vector.broadcast %get3A_0 : f32 to vector<1x32xf32>
      %mul3A_350 = arith.mulf %mul3A_349, %tanh3A_348 : vector<1x32xf32>
      %sub3A_351 = arith.constant 1.000000e+00 : f32
      %sub3A_352 = arith.subf %sub3A_351, %get3A_0 : f32
      %mul3A_353 = vector.broadcast %sub3A_352 : f32 to vector<1x32xf32>
      %mul3A_354 = arith.mulf %mul3A_353, %broadcast_in_dim3A_343 : vector<1x32xf32>
      %add3A_355 = arith.addf %mul3A_350, %mul3A_354 : vector<1x32xf32>
      %scan3A_356 = arith.constant 3 : i32
      %scan3A_357 = arith.addi %scan3A_164, %scan3A_356 : i32
      %mul3A_358 = arith.constant 2 : i32
      %mul3A_359 = arith.muli %mul3A_358, %scan3A_357 : i32
      %add3A_360 = arith.constant 1 : i32
      %add3A_361 = arith.addi %mul3A_359, %add3A_360 : i32
      %mul3A_362 = arith.constant 2 : i32
      %mul3A_363 = arith.muli %mul3A_362, %scan3A_357 : i32
      %broadcast_in_dim3A_364 = vector.shape_cast %add3A_355 : vector<1x32xf32> to vector<1x32xf32>
      %broadcast_in_dim3A_365 = vector.broadcast %broadcast_in_dim3A_364 : vector<1x32xf32> to vector<32x32xf32>
      %get3A_366 = arith.index_cast %mul3A_363 : i32 to index
      %get3A_367 = arith.constant 0 : index
      %get3A_368 = arith.constant 0 : index
      %get3A_369 = vector.load %arg0[%get3A_366, %get3A_367, %get3A_368] : memref<512x32x32xf32, #tpu.memory_space<vmem>>, vector<1x32x32xf32>
      %get3A_370 = vector.shape_cast %get3A_369 : vector<1x32x32xf32> to vector<32x32xf32>
      %mul3A_371 = arith.mulf %get3A_370, %broadcast_in_dim3A_365 : vector<32x32xf32>
      %reduce_sum3A_372 = arith.constant dense<0.000000e+00> : vector<32xf32>
      %reduce_sum3A_373 = vector.multi_reduction <add>, %mul3A_371, %reduce_sum3A_372 [1] : vector<32x32xf32> to vector<32xf32>
      %broadcast_in_dim3A_374 = vector.shape_cast %reduce_sum3A_373 : vector<32xf32> to vector<32x1xf32>
      %mul3A_375 = arith.mulf %select_n3A, %broadcast_in_dim3A_365 : vector<32x32xf32>
      %reduce_sum3A_376 = arith.constant dense<0.000000e+00> : vector<32xf32>
      %reduce_sum3A_377 = vector.multi_reduction <add>, %mul3A_375, %reduce_sum3A_376 [1] : vector<32x32xf32> to vector<32xf32>
      %broadcast_in_dim3A_378 = vector.shape_cast %reduce_sum3A_377 : vector<32xf32> to vector<32x1xf32>
      %get3A_379 = arith.index_cast %mul3A_363 : i32 to index
      %get3A_380 = arith.constant 0 : index
      %get3A_381 = arith.constant 0 : index
      %get3A_382 = vector.load %arg11[%get3A_379, %get3A_380, %get3A_381] : memref<512x32x1xf32, #tpu.memory_space<vmem>>, vector<1x32x1xf32>
      %get3A_383 = vector.shape_cast %get3A_382 : vector<1x32x1xf32> to vector<32x1xf32>
      %add3A_384 = arith.addf %broadcast_in_dim3A_374, %get3A_383 : vector<32x1xf32>
      %tanh3A_385 = math.tanh %add3A_384 : vector<32x1xf32>
      %mul3A_386 = vector.broadcast %get3A_0 : f32 to vector<32x1xf32>
      %mul3A_387 = arith.mulf %mul3A_386, %tanh3A_385 : vector<32x1xf32>
      %sub3A_388 = arith.constant 1.000000e+00 : f32
      %sub3A_389 = arith.subf %sub3A_388, %get3A_0 : f32
      %mul3A_390 = vector.broadcast %sub3A_389 : f32 to vector<32x1xf32>
      %mul3A_391 = arith.mulf %mul3A_390, %broadcast_in_dim3A_378 : vector<32x1xf32>
      %add3A_392 = arith.addf %mul3A_387, %mul3A_391 : vector<32x1xf32>
      %broadcast_in_dim3A_393 = vector.shape_cast %add3A_392 : vector<32x1xf32> to vector<32x1xf32>
      %broadcast_in_dim3A_394 = vector.broadcast %broadcast_in_dim3A_393 : vector<32x1xf32> to vector<32x32xf32>
      %get3A_395 = arith.index_cast %add3A_361 : i32 to index
      %get3A_396 = arith.constant 0 : index
      %get3A_397 = arith.constant 0 : index
      %get3A_398 = vector.load %arg12[%get3A_395, %get3A_396, %get3A_397] : memref<512x32x32xf32, #tpu.memory_space<vmem>>, vector<1x32x32xf32>
      %get3A_399 = vector.shape_cast %get3A_398 : vector<1x32x32xf32> to vector<32x32xf32>
      %mul3A_400 = arith.mulf %get3A_399, %broadcast_in_dim3A_394 : vector<32x32xf32>
      %reduce_sum3A_401 = arith.constant dense<0.000000e+00> : vector<32xf32>
      %reduce_sum3A_402 = vector.multi_reduction <add>, %mul3A_400, %reduce_sum3A_401 [0] : vector<32x32xf32> to vector<32xf32>
      %broadcast_in_dim3A_403 = vector.shape_cast %reduce_sum3A_402 : vector<32xf32> to vector<1x32xf32>
      %mul3A_404 = arith.mulf %select_n3A, %broadcast_in_dim3A_394 : vector<32x32xf32>
      %reduce_sum3A_405 = arith.constant dense<0.000000e+00> : vector<32xf32>
      %reduce_sum3A_406 = vector.multi_reduction <add>, %mul3A_404, %reduce_sum3A_405 [0] : vector<32x32xf32> to vector<32xf32>
      %broadcast_in_dim3A_407 = vector.shape_cast %reduce_sum3A_406 : vector<32xf32> to vector<1x32xf32>
      %get3A_408 = arith.index_cast %add3A_361 : i32 to index
      %get3A_409 = arith.constant 0 : index
      %get3A_410 = vector.load %arg10[%get3A_408, %get3A_409] : memref<512x32xf32, #tpu.memory_space<vmem>>, vector<1x32xf32>
      %add3A_411 = arith.addf %broadcast_in_dim3A_403, %get3A_410 : vector<1x32xf32>
      %tanh3A_412 = math.tanh %add3A_411 : vector<1x32xf32>
      %mul3A_413 = vector.broadcast %get3A_0 : f32 to vector<1x32xf32>
      %mul3A_414 = arith.mulf %mul3A_413, %tanh3A_412 : vector<1x32xf32>
      %sub3A_415 = arith.constant 1.000000e+00 : f32
      %sub3A_416 = arith.subf %sub3A_415, %get3A_0 : f32
      %mul3A_417 = vector.broadcast %sub3A_416 : f32 to vector<1x32xf32>
      %mul3A_418 = arith.mulf %mul3A_417, %broadcast_in_dim3A_407 : vector<1x32xf32>
      %add3A_419 = arith.addf %mul3A_414, %mul3A_418 : vector<1x32xf32>
      %scan3A_420 = arith.constant 4 : i32
      %scan3A_421 = arith.addi %scan3A_164, %scan3A_420 : i32
      %mul3A_422 = arith.constant 2 : i32
      %mul3A_423 = arith.muli %mul3A_422, %scan3A_421 : i32
      %add3A_424 = arith.constant 1 : i32
      %add3A_425 = arith.addi %mul3A_423, %add3A_424 : i32
      %mul3A_426 = arith.constant 2 : i32
      %mul3A_427 = arith.muli %mul3A_426, %scan3A_421 : i32
      %broadcast_in_dim3A_428 = vector.shape_cast %add3A_419 : vector<1x32xf32> to vector<1x32xf32>
      %broadcast_in_dim3A_429 = vector.broadcast %broadcast_in_dim3A_428 : vector<1x32xf32> to vector<32x32xf32>
      %get3A_430 = arith.index_cast %mul3A_427 : i32 to index
      %get3A_431 = arith.constant 0 : index
      %get3A_432 = arith.constant 0 : index
      %get3A_433 = vector.load %arg0[%get3A_430, %get3A_431, %get3A_432] : memref<512x32x32xf32, #tpu.memory_space<vmem>>, vector<1x32x32xf32>
      %get3A_434 = vector.shape_cast %get3A_433 : vector<1x32x32xf32> to vector<32x32xf32>
      %mul3A_435 = arith.mulf %get3A_434, %broadcast_in_dim3A_429 : vector<32x32xf32>
      %reduce_sum3A_436 = arith.constant dense<0.000000e+00> : vector<32xf32>
      %reduce_sum3A_437 = vector.multi_reduction <add>, %mul3A_435, %reduce_sum3A_436 [1] : vector<32x32xf32> to vector<32xf32>
      %broadcast_in_dim3A_438 = vector.shape_cast %reduce_sum3A_437 : vector<32xf32> to vector<32x1xf32>
      %mul3A_439 = arith.mulf %select_n3A, %broadcast_in_dim3A_429 : vector<32x32xf32>
      %reduce_sum3A_440 = arith.constant dense<0.000000e+00> : vector<32xf32>
      %reduce_sum3A_441 = vector.multi_reduction <add>, %mul3A_439, %reduce_sum3A_440 [1] : vector<32x32xf32> to vector<32xf32>
      %broadcast_in_dim3A_442 = vector.shape_cast %reduce_sum3A_441 : vector<32xf32> to vector<32x1xf32>
      %get3A_443 = arith.index_cast %mul3A_427 : i32 to index
      %get3A_444 = arith.constant 0 : index
      %get3A_445 = arith.constant 0 : index
      %get3A_446 = vector.load %arg11[%get3A_443, %get3A_444, %get3A_445] : memref<512x32x1xf32, #tpu.memory_space<vmem>>, vector<1x32x1xf32>
      %get3A_447 = vector.shape_cast %get3A_446 : vector<1x32x1xf32> to vector<32x1xf32>
      %add3A_448 = arith.addf %broadcast_in_dim3A_438, %get3A_447 : vector<32x1xf32>
      %tanh3A_449 = math.tanh %add3A_448 : vector<32x1xf32>
      %mul3A_450 = vector.broadcast %get3A_0 : f32 to vector<32x1xf32>
      %mul3A_451 = arith.mulf %mul3A_450, %tanh3A_449 : vector<32x1xf32>
      %sub3A_452 = arith.constant 1.000000e+00 : f32
      %sub3A_453 = arith.subf %sub3A_452, %get3A_0 : f32
      %mul3A_454 = vector.broadcast %sub3A_453 : f32 to vector<32x1xf32>
      %mul3A_455 = arith.mulf %mul3A_454, %broadcast_in_dim3A_442 : vector<32x1xf32>
      %add3A_456 = arith.addf %mul3A_451, %mul3A_455 : vector<32x1xf32>
      %broadcast_in_dim3A_457 = vector.shape_cast %add3A_456 : vector<32x1xf32> to vector<32x1xf32>
      %broadcast_in_dim3A_458 = vector.broadcast %broadcast_in_dim3A_457 : vector<32x1xf32> to vector<32x32xf32>
      %get3A_459 = arith.index_cast %add3A_425 : i32 to index
      %get3A_460 = arith.constant 0 : index
      %get3A_461 = arith.constant 0 : index
      %get3A_462 = vector.load %arg12[%get3A_459, %get3A_460, %get3A_461] : memref<512x32x32xf32, #tpu.memory_space<vmem>>, vector<1x32x32xf32>
      %get3A_463 = vector.shape_cast %get3A_462 : vector<1x32x32xf32> to vector<32x32xf32>
      %mul3A_464 = arith.mulf %get3A_463, %broadcast_in_dim3A_458 : vector<32x32xf32>
      %reduce_sum3A_465 = arith.constant dense<0.000000e+00> : vector<32xf32>
      %reduce_sum3A_466 = vector.multi_reduction <add>, %mul3A_464, %reduce_sum3A_465 [0] : vector<32x32xf32> to vector<32xf32>
      %broadcast_in_dim3A_467 = vector.shape_cast %reduce_sum3A_466 : vector<32xf32> to vector<1x32xf32>
      %mul3A_468 = arith.mulf %select_n3A, %broadcast_in_dim3A_458 : vector<32x32xf32>
      %reduce_sum3A_469 = arith.constant dense<0.000000e+00> : vector<32xf32>
      %reduce_sum3A_470 = vector.multi_reduction <add>, %mul3A_468, %reduce_sum3A_469 [0] : vector<32x32xf32> to vector<32xf32>
      %broadcast_in_dim3A_471 = vector.shape_cast %reduce_sum3A_470 : vector<32xf32> to vector<1x32xf32>
      %get3A_472 = arith.index_cast %add3A_425 : i32 to index
      %get3A_473 = arith.constant 0 : index
      %get3A_474 = vector.load %arg10[%get3A_472, %get3A_473] : memref<512x32xf32, #tpu.memory_space<vmem>>, vector<1x32xf32>
      %add3A_475 = arith.addf %broadcast_in_dim3A_467, %get3A_474 : vector<1x32xf32>
      %tanh3A_476 = math.tanh %add3A_475 : vector<1x32xf32>
      %mul3A_477 = vector.broadcast %get3A_0 : f32 to vector<1x32xf32>
      %mul3A_478 = arith.mulf %mul3A_477, %tanh3A_476 : vector<1x32xf32>
      %sub3A_479 = arith.constant 1.000000e+00 : f32
      %sub3A_480 = arith.subf %sub3A_479, %get3A_0 : f32
      %mul3A_481 = vector.broadcast %sub3A_480 : f32 to vector<1x32xf32>
      %mul3A_482 = arith.mulf %mul3A_481, %broadcast_in_dim3A_471 : vector<1x32xf32>
      %add3A_483 = arith.addf %mul3A_478, %mul3A_482 : vector<1x32xf32>
      scf.yield %add3A_483 : vector<1x32xf32>
    }
    %scan3A_109 = arith.constant 255 : i32
    %broadcast_in_dim3A_110 = vector.shape_cast %scan3A_108 : vector<1x32xf32> to vector<1x32xf32>
    %broadcast_in_dim3A_111 = vector.broadcast %broadcast_in_dim3A_110 : vector<1x32xf32> to vector<32x32xf32>
    %get3A_112 = arith.constant 510 : index
    %get3A_113 = arith.constant 0 : index
    %get3A_114 = arith.constant 0 : index
    %get3A_115 = vector.load %arg0[%get3A_112, %get3A_113, %get3A_114] : memref<512x32x32xf32, #tpu.memory_space<vmem>>, vector<1x32x32xf32>
    %get3A_116 = vector.shape_cast %get3A_115 : vector<1x32x32xf32> to vector<32x32xf32>
    %mul3A_117 = arith.mulf %get3A_116, %broadcast_in_dim3A_111 : vector<32x32xf32>
    %reduce_sum3A_118 = arith.constant dense<0.000000e+00> : vector<32xf32>
    %reduce_sum3A_119 = vector.multi_reduction <add>, %mul3A_117, %reduce_sum3A_118 [1] : vector<32x32xf32> to vector<32xf32>
    %broadcast_in_dim3A_120 = vector.shape_cast %reduce_sum3A_119 : vector<32xf32> to vector<32x1xf32>
    %mul3A_121 = arith.mulf %select_n3A, %broadcast_in_dim3A_111 : vector<32x32xf32>
    %reduce_sum3A_122 = arith.constant dense<0.000000e+00> : vector<32xf32>
    %reduce_sum3A_123 = vector.multi_reduction <add>, %mul3A_121, %reduce_sum3A_122 [1] : vector<32x32xf32> to vector<32xf32>
    %broadcast_in_dim3A_124 = vector.shape_cast %reduce_sum3A_123 : vector<32xf32> to vector<32x1xf32>
    %get3A_125 = arith.constant 510 : index
    %get3A_126 = arith.constant 0 : index
    %get3A_127 = arith.constant 0 : index
    %get3A_128 = vector.load %arg11[%get3A_125, %get3A_126, %get3A_127] : memref<512x32x1xf32, #tpu.memory_space<vmem>>, vector<1x32x1xf32>
    %get3A_129 = vector.shape_cast %get3A_128 : vector<1x32x1xf32> to vector<32x1xf32>
    %add3A_130 = arith.addf %broadcast_in_dim3A_120, %get3A_129 : vector<32x1xf32>
    %tanh3A = math.tanh %add3A_130 : vector<32x1xf32>
    %mul3A_131 = vector.broadcast %get3A_0 : f32 to vector<32x1xf32>
    %mul3A_132 = arith.mulf %mul3A_131, %tanh3A : vector<32x1xf32>
    %sub3A_133 = arith.constant 1.000000e+00 : f32
    %sub3A_134 = arith.subf %sub3A_133, %get3A_0 : f32
    %mul3A_135 = vector.broadcast %sub3A_134 : f32 to vector<32x1xf32>
    %mul3A_136 = arith.mulf %mul3A_135, %broadcast_in_dim3A_124 : vector<32x1xf32>
    %add3A_137 = arith.addf %mul3A_132, %mul3A_136 : vector<32x1xf32>
    %broadcast_in_dim3A_138 = vector.shape_cast %add3A_137 : vector<32x1xf32> to vector<32x1xf32>
    %broadcast_in_dim3A_139 = vector.broadcast %broadcast_in_dim3A_138 : vector<32x1xf32> to vector<32x32xf32>
    %mul3A_140 = arith.mulf %select_n3A, %broadcast_in_dim3A_139 : vector<32x32xf32>
    %reduce_sum3A_141 = arith.constant dense<0.000000e+00> : vector<32xf32>
    %reduce_sum3A_142 = vector.multi_reduction <add>, %mul3A_140, %reduce_sum3A_141 [0] : vector<32x32xf32> to vector<32xf32>
    %broadcast_in_dim3A_143 = vector.shape_cast %reduce_sum3A_142 : vector<32xf32> to vector<1x32xf32>
    %get3A_144 = arith.constant 0 : index
    %get3A_145 = arith.constant 0 : index
    %get3A_146 = vector.load %arg6[%get3A_144, %get3A_145] : memref<4096x32xf32, #tpu.memory_space<vmem>>, vector<4096x32xf32>
    %dot_general3A_147 = arith.constant dense<0.000000e+00> : vector<1x4096xf32>
    %dot_general3A_148 = tpu.matmul %broadcast_in_dim3A_143, %get3A_146, %dot_general3A_147 {dimension_numbers = #tpu.dot_dimension_numbers<[1], [1], [0], [0], [0, 0, 1, 0], [], []>, transpose_lhs_hint = false} : vector<1x32xf32>, vector<4096x32xf32>, vector<1x4096xf32> -> vector<1x4096xf32>
    %swap3A_149 = arith.constant 0 : index
    %swap3A_150 = arith.constant 0 : index
    %swap3A_151 = vector.load %arg8[%swap3A_149, %swap3A_150] : memref<1x4096xf32, #tpu.memory_space<vmem>>, vector<1x4096xf32>
    tpu.vector_store %arg8[%swap3A_149, %swap3A_150], %dot_general3A_148 {strides = array<i32>} : memref<1x4096xf32, #tpu.memory_space<vmem>>, vector<1x4096xf32>,
    %reduce_max3A = arith.constant dense<0xFF800000> : vector<1xf32>
    %reduce_max3A_152 = vector.multi_reduction <maximumf>, %dot_general3A_148, %reduce_max3A [1] : vector<1x4096xf32> to vector<1xf32>
    %broadcast_in_dim3A_153 = vector.shape_cast %reduce_max3A_152 : vector<1xf32> to vector<1x1xf32>
    %sub3A_154 = vector.broadcast %broadcast_in_dim3A_153 : vector<1x1xf32> to vector<1x4096xf32>
    %sub3A_155 = arith.subf %dot_general3A_148, %sub3A_154 : vector<1x4096xf32>
    %exp3A = math.exp %sub3A_155 : vector<1x4096xf32>
    %reduce_sum3A_156 = arith.constant dense<0.000000e+00> : vector<1xf32>
    %reduce_sum3A_157 = vector.multi_reduction <add>, %exp3A, %reduce_sum3A_156 [1] : vector<1x4096xf32> to vector<1xf32>
    %broadcast_in_dim3A_158 = vector.shape_cast %reduce_sum3A_157 : vector<1xf32> to vector<1x1xf32>
    %div3A_159 = vector.broadcast %broadcast_in_dim3A_158 : vector<1x1xf32> to vector<1x4096xf32>
    %div3A_160 = arith.divf %exp3A, %div3A_159 : vector<1x4096xf32>
    %swap3A_161 = arith.constant 0 : index
    %swap3A_162 = arith.constant 0 : index
    %swap3A_163 = vector.load %arg9[%swap3A_161, %swap3A_162] : memref<1x4096xf32, #tpu.memory_space<vmem>>, vector<1x4096xf32>
    tpu.vector_store %arg9[%swap3A_161, %swap3A_162], %div3A_160 {strides = array<i32>} : memref<1x4096xf32, #tpu.memory_space<vmem>>, vector<1x4096xf32>,
    return
  }
}

</mosaic_0001>

<sc_bundles>
// kernel: kernel.4.cloned.1.call-start
scs
__scs_entry_jumppad:
0x0: {  	(pc) =	sbr.rel $0x88, $3  }
0x1: {  	(tag) =	ssettag $0x0;
	lr =	simm.s32 $0x1  }
0x2: {  	[smem:$0x3F98] =	sst lr;
	_ =	strace $0xD0000000  }
0x3: {  	_ = 	snop  }
0x4: {  	_ = 	snop  }
0x5: {  	_ = 	snop  }
0x6: {  	_ = 	snop  }
0x7: {  	_ = 	snop  }
__scs_overlays_trampoline_lowered:
0x8: {  	[smem:$0x3FA7] =	sst s0  }
0x9: {  	[smem:$0x3FA8] =	sst s1  }
0xa: {  	[smem:$0x3FA9] =	sst s2  }
0xb: {  	[smem:$0x3FAA] =	sst s3  }
0xc: {  	[smem:$0x3FAB] =	sst s4  }
0xd: {  	[smem:$0x3FAC] =	sst s5  }
0xe: {  	[smem:$0x3FAD] =	sst s6  }
0xf: {  	[smem:$0x3FAE] =	sst s7  }
0x10: {  	[smem:$0x3FAF] =	sst s8  }
0x11: {  	[smem:$0x3FB0] =	sst s9;
	s0 =	simm.s32 @!p0 $0x0  }
0x12: {  	s1 =	sld [smem:$0x3F96];
	s0 =	simm.s32 @p0 $0x1  }
0x13: {  	[smem:$0x3FB1] =	sst s0;
	s0 =	simm.s32 @!p1 $0x0  }
0x14: {  	s2 =	sld [smem:$0x3F95];
	s0 =	simm.s32 @p1 $0x1  }
0x15: {  	[smem:$0x3FB2] =	sst s0;
	s0 =	simm.s32 @!p2 $0x0  }
0x16: {  	s3 =	sld [smem:$0x3FDB];
	s0 =	simm.s32 @p2 $0x1  }
0x17: {  	s4 =	simm.s32 $0x1BF5;
	[smem:$0x3FB4] =	sst s0  }
0x18: {  	s0 =	sld [smem:$0x3F97];
	_ =	swait.ge [sflag:s4], $0x0  }
0x19: {  	s7 =	sld [smem:$0x3F98]  }
0x1a: {  	s8 =	sadd.s32 $0xFFFFE003, lr  }
0x1b: {  	s9 =	sadd.s32 $0xFFFFFEF7, lr;
	s5 =	simm.s32 $0xFFFFFFFF;
	p2 =	slt.u32 s8, $0xFFFFF086  }
0x1c: {  	p1 =	slt.u32 s9, $0xF7A;
	s5 =	simm.s32 @!p2 $0x0  }
0x1d: {  	s5 =	simm.s32 @p1 $0x1;
	p0 =	seq.s32 s7, s2  }
0x1e: {  	s7 =	smul.u32 @!p0 $0xF7A, s2;
	p2 =	seq.s32 @!p0 s5, $0x0  }
0x1f: {  	s9 =	smul.u32 $0xF7A, s1;
	s8 =	simm.s32 @!p0 $0x1BF5;
	p2 =	por !p2, p0  }
0x20: {  	[sflag:s8] =	ssyncset.s32 @!p0 $0xFFFFF086;
	s6 =	sadd.s32 @!p0 s3, s7;
	s7 =	simm.s32 @!p0 $0x108  }
0x21: {  	s3 =	sadd.s32 s3, s9;
	s6 =	sadd.s32 @!p0 $0x88, s6;
	s7 =	simm.s32 @p2 $0x1082  }
0x22: {  	[simem:s7], [sflag:s8] =	dma.local @!p0 [hbm:s6], $0xF7A  }
0x23: {  	s9 =	sor.u32 $0xD0000000, s2;
	s6 =	simm.s32 $0x108;
	_ =	swait.ge @!p0 [sflag:s8], $0x0  }
0x24: {  	s3 =	sadd.s32 $0x88, s3;
	s6 =	simm.s32 @!p1 $0x1082;
	[sflag:s4] =	ssyncset.s32 $0xFFFFF086  }
0x25: {  	[simem:s6], [sflag:s4] =	dma.local [hbm:s3], $0xF7A  }
0x26: {  	[smem:$0x3F98] =	sst s1;
	(tag) =	ssettag s2;
	_ =	strace s9  }
0x27: {  	s1 =	sld [smem:$0x3FA8]  }
0x28: {  	s2 =	sld [smem:$0x3FA9]  }
0x29: {  	s4 =	sld [smem:$0x3FAB]  }
0x2a: {  	p0 =	seq.s32 s5, $0x0;
	s5 =	sld [smem:$0x3FAC]  }
0x2b: {  	s6 =	sld [smem:$0x3FAD]  }
0x2c: {  	s7 =	sld [smem:$0x3FAE]  }
0x2d: {  	s3 =	simm.s32 $0x108;
	s8 =	sld [smem:$0x3FAF]  }
0x2e: {  	s3 =	simm.s32 @!p0 $0x1082;
	s9 =	sld [smem:$0x3FB0]  }
0x2f: {  	lr =	sadd.s32 s0, s3;
	s0 =	sld [smem:$0x3FA7]  }
0x30: {  	s3 =	sld [smem:$0x3FAA]  }
0x31: {  	[smem:$0x3FB3] =	sst s10  }
0x32: {  	s10 =	sld [smem:$0x3FB1];
	_ =	sdelay $0x3  }
0x33: {  	p0 =	seq.s32 s10, $0x1;
	s10 =	sld [smem:$0x3FB3];
	_ =	sdelay $0x3  }
0x34: {  	[smem:$0x3FB3] =	sst s10  }
0x35: {  	s10 =	sld [smem:$0x3FB2];
	_ =	sdelay $0x3  }
0x36: {  	p1 =	seq.s32 s10, $0x1;
	s10 =	sld [smem:$0x3FB3];
	_ =	sdelay $0x3  }
0x37: {  	[smem:$0x3FB3] =	sst s10  }
0x38: {  	s10 =	sld [smem:$0x3FB4]  }
0x39: {  	_ = 	snop;
	(pc) =	sbr.ind lr, $3  }
0x3a: {  	_ = 	snop  }
0x3b: {  	_ = 	snop  }
0x3c: {  	p2 =	seq.s32 s10, $0x1;
	s10 =	sld [smem:$0x3FB3]  }
0x3d: {  	_ =	shalt  }
0x3e: {  	_ =	shalt  }
0x3f: {  	_ =	shalt  }
0x40: {  	_ =	shalt  }
0x41: {  	_ =	shalt  }
0x42: {  	_ =	shalt  }
0x43: {  	_ =	shalt  }
0x44: {  	_ =	shalt  }
0x45: {  	_ =	shalt  }
0x46: {  	_ =	shalt  }
0x47: {  	_ =	shalt  }
0x48: {  	_ =	shalt  }
0x49: {  	_ =	shalt  }
0x4a: {  	_ =	shalt  }
0x4b: {  	_ =	shalt  }
0x4c: {  	_ =	shalt  }
0x4d: {  	_ =	shalt  }
0x4e: {  	_ =	shalt  }
0x4f: {  	_ =	shalt  }
0x50: {  	_ =	shalt  }
0x51: {  	_ =	shalt  }
0x52: {  	_ =	shalt  }
0x53: {  	_ =	shalt  }
0x54: {  	_ =	shalt  }
0x55: {  	_ =	shalt  }
0x56: {  	_ =	shalt  }
0x57: {  	_ =	shalt  }
0x58: {  	_ =	shalt  }
0x59: {  	_ =	shalt  }
0x5a: {  	_ =	shalt  }
0x5b: {  	_ =	shalt  }
0x5c: {  	_ =	shalt  }
0x5d: {  	_ =	shalt  }
0x5e: {  	_ =	shalt  }
0x5f: {  	_ =	shalt  }
0x60: {  	_ =	shalt  }
0x61: {  	_ =	shalt  }
0x62: {  	_ =	shalt  }
0x63: {  	_ =	shalt  }
0x64: {  	_ =	shalt  }
0x65: {  	_ =	shalt  }
0x66: {  	_ =	shalt  }
0x67: {  	_ =	shalt  }
0x68: {  	_ =	shalt  }
0x69: {  	_ =	shalt  }
0x6a: {  	_ =	shalt  }
0x6b: {  	_ =	shalt  }
0x6c: {  	_ =	shalt  }
0x6d: {  	_ =	shalt  }
0x6e: {  	_ =	shalt  }
0x6f: {  	_ =	shalt  }
0x70: {  	_ =	shalt  }
0x71: {  	_ =	shalt  }
0x72: {  	_ =	shalt  }
0x73: {  	_ =	shalt  }
0x74: {  	_ =	shalt  }
0x75: {  	_ =	shalt  }
0x76: {  	_ =	shalt  }
0x77: {  	_ =	shalt  }
0x78: {  	_ =	shalt  }
0x79: {  	_ =	shalt  }
0x7a: {  	_ =	shalt  }
0x7b: {  	_ =	shalt  }
0x7c: {  	_ =	shalt  }
0x7d: {  	_ =	shalt  }
0x7e: {  	_ =	shalt  }
0x7f: {  	_ =	shalt  }
0x80: {  	_ =	shalt  }
0x81: {  	_ =	shalt  }
0x82: {  	_ =	shalt  }
0x83: {  	_ =	shalt  }
0x84: {  	_ =	shalt  }
0x85: {  	_ =	shalt  }
0x86: {  	_ =	shalt  }
0x87: {  	_ =	shalt  }
.Lfunc_end0:
.L_simem_size_0:
called_computation_lowered:
.L_overlay_start_0:
0x88: {  	s2 =	sld [smem:$0x3FD9]  }
0x89: {  	s3 =	sld [smem:$0x3FFE];
	_ =	sdelay $0x1  }
0x8a: {  	s1 =	srdreg.scid  }
0x8b: {  	s0 =	sand.u32 $0x1, s1  }
0x8c: {  	s14 =	sshll.u32 s0, $0xA;
	s2 =	sadd.s32 s3, s2  }
0x8d: {  	s2 =	sadd.s32 s2, s14  }
0x8e: {  	[smem:$0x3FBF] =	sst s2  }
0x8f: {  	_ = 	snop  }
0x90: {  	s2 =	sld [smem:$0x3FD0];
	_ =	sdelay $0x2  }
0x91: {  	s15 =	simm.s32 $0xA;
	s4 =	simm.s32 $0x10  }
0x92: {  	[smem:s4], [sflag:s15] =	dma.local [hbm:s2], $0x1  }
0x93: {  	_ =	swait.eq [sflag:s15], $0x1  }
0x94: {  	[sflag:s15] =	ssyncset.done $0x0  }
0x95: {  	s16 =	sld [smem:$0x10];
	[sflag:s15] =	ssyncadd.s32 $0xFFFFFFFF  }
0x96: {  	s17 =	sld [smem:$0x11];
	(tm) =	ssettm $0x1  }
0x97: {  	s18 =	sld [smem:$0x3FFB];
	_ =	sdelay $0x3  }
0x98: {  	_ =	strace s18  }
0x99: {  	s4 =	sld [smem:$0x3FFC];
	_ =	sdelay $0x3  }
0x9a: {  	_ =	strace s4  }
0x9b: {  	s4 =	sld [smem:$0x3FFD];
	_ =	sdelay $0x3  }
0x9c: {  	_ =	strace s4  }
0x9d: {  	_ =	strace $0x8FFFFFFF  }
0x9e: {  	s19 =	sld [smem:$0x3FDB];
	_ =	sdelay $0x1  }
0x9f: {  	s5 =	simm.s32 $_scs_section_size  }
0xa0: {  	s6 =	simm.s32 $_size__tile_overlayer_lowered;
	s7 =	simm.s32 $_tile_overlayer_lowered  }
0xa1: {  	s22 =	simm.s32 $0x1BFF;
	s21 =	sshll.u32 s7, $0x1;
	s4 =	sadd.s32 s5, s19  }
0xa2: {  	s8 =	simm.s32 $0x0;
	s20 =	sshll.u32 s6, $0x1;
	s6 =	sadd.s32 s21, s4  }
0xa3: {  	[timem:s8], [sflag:s22] =	dma.local [hbm:s6], s20  }
0xa4: {  	_ =	swait.ge [sflag:s22], s20  }
0xa5: {  	s5 =	ssub.s32 $0x0, s20;
	[sflag:s22] =	ssyncset.done $0x0  }
0xa6: {  	[sflag:s22] =	ssyncadd.s32 s5;
	_ =	sdelay $0x1  }
0xa7: {  	s23 =	simm.s32 $0x1B8B  }
0xa8: {  	_ =	swait.ge [sflag:s23], $0x1  }
0xa9: {  	[sflag:s23] =	ssyncset.done $0x0  }
0xaa: {  	s25 =	simm.s32 $0x1B8E;
	s24 =	sld [smem:$0x3FFE];
	[sflag:s23] =	ssyncadd.s32 $0xFFFFFFFF  }
0xab: {  	s26 =	simm.s32 $execute0_lowered;
	[smem:$0x3FD2] =	sst s25  }
0xac: {  	s6 =	sshll.u32 s26, $0x1;
	_ =	strace $0x80000046;
	[dreg:$0x1] =	wrdreg $0xFFFFFFFF  }
0xad: {  	s28 =	simm.s32 $_size_execute0_lowered;
	s4 =	sadd.s32 s4, s6;
	[dreg:$0x0] =	wrdreg $0x0  }
0xae: {  	s6 =	sshll.u32 s28, $0x1;
	[dreg:$0x2] =	wrdreg s4  }
0xaf: {  	[dreg:$0x3] =	wrdreg s6  }
0xb0: {  	[dreg:$0x4] =	wrdreg $0xC0  }
0xb1: {  	_ =	task [dreg:s8], $0x5FFFF  }
0xb2: {  	[dreg:$0x1] =	wrdreg $0xFFFFFFFF  }
0xb3: {  	[dreg:$0x0] =	wrdreg $0x60  }
0xb4: {  	[dreg:$0x2] =	wrdreg s24  }
0xb5: {  	[dreg:$0x3] =	wrdreg s16  }
0xb6: {  	[dreg:$0x4] =	wrdreg s17  }
0xb7: {  	[dreg:$0x5] =	wrdreg $0x9  }
0xb8: {  	_ =	task.clear_ibuf [dreg:s8], $0x6FFFF;
	_ =	strace $0x90000046  }
0xb9: {  	s29 =	simm.s32 $0x9;
	_ =	strace $0x80000048  }
0xba: {  	_ =	swait.ge [sflag:s29], $0x1  }
0xbb: {  	[sflag:s29] =	ssyncadd.s32 $0xFFFFFFFF  }
0xbc: {  	_ =	strace $0x90000048  }
0xbd: {  	_ =	sfence  }
0xbe: {  	s30 =	sld [smem:$0x0];
	_ =	sdelay $0x2  }
0xbf: {  	s31 =	sshll.u32 s1, $0xD;
	s1 =	sshrl.u32 s1, $0x2  }
0xc0: {  	s3 =	sand.u32 $0x4000, s31;
	s1 =	sadd.s32 s1, s30  }
0xc1: {  	s0 =	sor.u32 s3, s0;
	s1 =	sshll.u32 s1, $0x11  }
0xc2: {  	s0 =	sor.u32 s1, s0  }
0xc3: {  	s0 =	sadd.s32 $0x8F2B, s0  }
0xc4: {  	[sflag:s0] =	ssyncadd.remote.s32 $0x1  }
0xc5: {  	_ =	sfence.sel $0xFFFF  }
0xc6: {  	[dreg:$0x0] =	wrdreg $0xFFFFFFFF;
	(pc) =	sbr.abs _section_cstart, $3  }
0xc7: {  	[dreg:$0x1] =	wrdreg $0xFFFFFFFF  }
0xc8: {  	_ =	task.clear_ibuf [dreg:s8], $0x2FFFF;
	_ =	strace $0x9FFFFFFF  }
0xc9: {  	(tm) =	ssettm $0x7FFFFFFF  }
tec
execute0_lowered:
.L_overlay_start_1:
0x0: {  	(tag) =	ssettag $0x1  }
0x1: {  	s25 =	rddreg [dreg:$0x0];
	s1 =	srdreg.scid  }
0x2: {  	s3 =	rddreg [dreg:$0x1];
	s0 =	stileid.u32;
	s24 =	sand.u32 $0x1, s1  }
0x3: {  	s5 =	rddreg [dreg:$0x2];
	s4 =	sshll.u32 s0, $0x5;
	s6 =	sshll.u32 s24, $0x4  }
0x4: {  	s2 =	simm.s32 $0x0;
	s1 =	rddreg [dreg:$0x3];
	s26 =	sor.u32 s6, s4  }
0x5: {  	[smem:$0x7FF] =	sst s2;
	s6 =	sshrl.u32 s26, $0x3  }
0x6: {  	_ =	strace $0x80000047;
	s4 =	sadd.s32 s3, s6;
	s3 =	simm.s32 $0x3  }
0x7: {  	[tilespmem:s2], [sflag:$0x3] =	stream.linear.gather [hbm4b:s4+s2], $0x10, $0x38;
	[tilespmem:$0x4900] =	vst v63  }
0x8: {  	_ =	swait.ge [sflag:s3], $0x10  }
0x9: {  	[sflag:s3] =	ssyncset.done $0x0  }
0xa: {  	s5 =	sadd.s32 s5, s6;
	s6 =	simm.s32 $0x80;
	[sflag:s3] =	ssyncadd.s32 $0xFFFFFFF0  }
0xb: {  	[tilespmem:s6], [sflag:$0x3] =	stream.linear.gather [hbm4b:s5+s2], $0x10, $0x38;
	[tilespmem:$0x4900] =	vst v63  }
0xc: {  	_ =	swait.ge [sflag:s3], $0x10  }
0xd: {  	[sflag:s3] =	ssyncset.done $0x0  }
0xe: {  	[sflag:s3] =	ssyncadd.s32 $0xFFFFFFF0  }
0xf: {  	v0 =	vld [tilespmem:$0x0];
	_ =	sdelay $0x4  }
0x10: {  	v1 =	vshll.u32 v0, $0x3  }
0x11: {  	v2 =	vlaneseq.u32;
	v3 =	vand.u32 $0x7, v0;
	v1 =	vand.u32 $0xFFFFFFC0, v1  }
0x12: {  	v4 =	vshrl.u32 v2, $0x3;
	v0 =	vand.u32 $0x7, v2;
	v3 =	vor.u32 v3, v1  }
0x13: {  	v1 =	vmul.u32 $0x8, v4;
	v63 =	vperm.xlane v3, v0;
	_ =	sdelay $0x1  }
0x14: {  	v4 =	vadd.s32 v1, v63;
	_ =	sdelay $0x3  }
0x15: {  	vm0 =	vmmov $0xffff;
	s8 =	simm.s32 $0x100;
	s7 =	sadd.s32 $0x32600, s25  }
0x16: {  	v2 =	vor.u32 $0x8, v2;
	[tilespmem:s8], [sflag:$0x1] =	stream.indirect_vreg.gather [hbm4b:s7+s2], $0x80, v4, vm0, $0xb8;
	[tilespmem:$0x4900] =	vst v63  }
0x17: {  	s10 =	simm.s32 $0x900;
	s9 =	sadd.s32 $0x32700, s25;
	v3 =	vperm.xlane v3, v2  }
0x18: {  	[tilespmem:s10], [sflag:$0x1] =	stream.indirect_vreg.gather [hbm4b:s9+s2], $0x80, v4, vm0, $0xb8;
	[tilespmem:$0x4900] =	vst v63  }
0x19: {  	s12 =	simm.s32 $0x1100;
	s11 =	sadd.s32 $0x32800, s25;
	v3 =	vadd.s32 v1, v3  }
0x1a: {  	[tilespmem:s12], [sflag:$0x1] =	stream.indirect_vreg.gather [hbm4b:s11+s2], $0x80, v4, vm0, $0xb8;
	[tilespmem:$0x4900] =	vst v63  }
0x1b: {  	s14 =	simm.s32 $0x1900;
	s13 =	sadd.s32 $0x32900, s25  }
0x1c: {  	[tilespmem:s14], [sflag:$0x1] =	stream.indirect_vreg.gather [hbm4b:s13+s2], $0x80, v4, vm0, $0xb8;
	[tilespmem:$0x4900] =	vst v63  }
0x1d: {  	s15 =	simm.s32 $0x2100  }
0x1e: {  	[tilespmem:s15], [sflag:$0x1] =	stream.indirect_vreg.gather [hbm4b:s7+s2], $0x80, v3, vm0, $0xb8;
	[tilespmem:$0x4900] =	vst v63  }
0x1f: {  	s16 =	simm.s32 $0x2900  }
0x20: {  	[tilespmem:s16], [sflag:$0x1] =	stream.indirect_vreg.gather [hbm4b:s9+s2], $0x80, v3, vm0, $0xb8;
	[tilespmem:$0x4900] =	vst v63  }
0x21: {  	s17 =	simm.s32 $0x3100  }
0x22: {  	[tilespmem:s17], [sflag:$0x1] =	stream.indirect_vreg.gather [hbm4b:s11+s2], $0x80, v3, vm0, $0xb8;
	[tilespmem:$0x4900] =	vst v63  }
0x23: {  	s19 =	simm.s32 $0x3900;
	s20 =	simm.s32 $0x10  }
0x24: {  	[tilespmem:s19], [sflag:$0x1] =	stream.indirect_vreg.gather [hbm4b:s13+s2], $0x80, v3, vm0, $0xb8;
	[tilespmem:$0x4900] =	vst v63  }
0x25: {  	s21 =	simm.s32 $0x4100;
	s22 =	simm.s32 $0x1;
	s18 =	sadd.s32 $0x1800, s25  }
0x26: {  	[tilespmem:s21], [sflag:$0x2] =	stream.indirect.gather [hbm4b:s18+s20], $0x80, s6, s20, $0xb8;
	[tilespmem:$0x4900] =	vst v63  }
0x27: {  	_ =	swait.ge [sflag:s22], $0x4000  }
0x28: {  	s23 =	simm.s32 $0x2;
	s29 =	ssub.s32 $0x2, s24;
	[sflag:s22] =	ssyncset.done $0x0  }
0x29: {  	s30 =	sshrl.u32 s29, $0x1;
	s28 =	sshll.u32 s26, $0x7;
	[sflag:s22] =	ssyncadd.s32 $0xFFFFC000  }
0x2a: {  	s26 =	sshll.u32 s26, $0x4;
	s31 =	ssub.s32 s29, s30;
	_ =	swait.ge [sflag:s23], $0x800  }
0x2b: {  	s28 =	sadd.s32 s28, s25;
	s25 =	sadd.s32 s26, s25;
	[sflag:s23] =	ssyncset.done $0x0  }
0x2c: {  	s26 =	smax.u32 s31, $0x1;
	s24 =	sadd.s32 $0x64CE00, s28;
	[sflag:s23] =	ssyncadd.s32 $0xFFFFF800  }
0x2d: {  	[hbm4b:s24+s2] =	stream.linear.scatter [tilespmem:s8], [sflag:$0x3], $0x4000, $0x38;
	[tilespmem:$0x4900] =	vst v63  }
0x2e: {  	p0 =	sne.s32 s26, $0x1;
	_ =	swait.ge [sflag:s3], $0x4000  }
.Ltmp0:
0x2f: {  	[sflag:s3] =	ssyncset.done $0x0;
	(pc) =	sbr.rel @!p0 .LBB2_2-.Ltmp0, $4  }
0x30: {  	s25 =	sadd.s32 $0x65CE00, s25;
	[sflag:s3] =	ssyncadd.s32 $0xFFFFC000  }
0x31: {  	[hbm4b:s25+s2] =	stream.linear.scatter [tilespmem:s21], [sflag:$0x3], $0x800, $0x38;
	[tilespmem:$0x4900] =	vst v63  }
0x32: {  	_ =	swait.ge [sflag:s3], $0x800  }
0x33: {  	s26 =	sadd.s32 $0xFFFFFFFF, s26;
	[sflag:s3] =	ssyncset.done $0x0  }
.LBB2_1:
0x34: {  	p0 =	sne.s32 s26, $0x1;
	s26 =	sadd.s32 $0xFFFFFFFF, s26;
	[sflag:s3] =	ssyncadd.s32 $0xFFFFF800  }
0x35: {  	[tilespmem:s2], [sflag:$0x3] =	stream.linear.gather [hbm4b:s4+s2], $0x10, $0x38;
	[tilespmem:$0x4900] =	vst v63  }
0x36: {  	_ =	swait.ge [sflag:s3], $0x10  }
0x37: {  	[sflag:s3] =	ssyncset.done $0x0  }
0x38: {  	[sflag:s3] =	ssyncadd.s32 $0xFFFFFFF0  }
0x39: {  	[tilespmem:s6], [sflag:$0x3] =	stream.linear.gather [hbm4b:s5+s2], $0x10, $0x38;
	[tilespmem:$0x4900] =	vst v63  }
0x3a: {  	_ =	swait.ge [sflag:s3], $0x10  }
0x3b: {  	[sflag:s3] =	ssyncset.done $0x0  }
0x3c: {  	[sflag:s3] =	ssyncadd.s32 $0xFFFFFFF0  }
0x3d: {  	v3 =	vld [tilespmem:$0x0];
	_ =	sdelay $0x4  }
0x3e: {  	v4 =	vshll.u32 v3, $0x3  }
0x3f: {  	v3 =	vand.u32 $0x7, v3;
	v4 =	vand.u32 $0xFFFFFFC0, v4  }
0x40: {  	v3 =	vor.u32 v3, v4  }
0x41: {  	v4 =	vperm.xlane v3, v0;
	v3 =	vperm.xlane v3, v2;
	_ =	sdelay $0x1  }
0x42: {  	v4 =	vadd.s32 v1, v4;
	_ =	sdelay $0x4  }
0x43: {  	[tilespmem:s8], [sflag:$0x1] =	stream.indirect_vreg.gather [hbm4b:s7+s2], $0x80, v4, vm0, $0xb8;
	[tilespmem:$0x4900] =	vst v63  }
0x44: {  	_ = 	snop  }
0x45: {  	[tilespmem:s10], [sflag:$0x1] =	stream.indirect_vreg.gather [hbm4b:s9+s2], $0x80, v4, vm0, $0xb8;
	[tilespmem:$0x4900] =	vst v63  }
0x46: {  	v3 =	vadd.s32 v1, v3  }
0x47: {  	[tilespmem:s12], [sflag:$0x1] =	stream.indirect_vreg.gather [hbm4b:s11+s2], $0x80, v4, vm0, $0xb8;
	[tilespmem:$0x4900] =	vst v63  }
0x48: {  	_ = 	snop  }
0x49: {  	[tilespmem:s14], [sflag:$0x1] =	stream.indirect_vreg.gather [hbm4b:s13+s2], $0x80, v4, vm0, $0xb8;
	[tilespmem:$0x4900] =	vst v63  }
0x4a: {  	_ = 	snop  }
0x4b: {  	[tilespmem:s15], [sflag:$0x1] =	stream.indirect_vreg.gather [hbm4b:s7+s2], $0x80, v3, vm0, $0xb8;
	[tilespmem:$0x4900] =	vst v63  }
0x4c: {  	_ = 	snop  }
0x4d: {  	[tilespmem:s16], [sflag:$0x1] =	stream.indirect_vreg.gather [hbm4b:s9+s2], $0x80, v3, vm0, $0xb8;
	[tilespmem:$0x4900] =	vst v63  }
0x4e: {  	_ = 	snop  }
0x4f: {  	[tilespmem:s17], [sflag:$0x1] =	stream.indirect_vreg.gather [hbm4b:s11+s2], $0x80, v3, vm0, $0xb8;
	[tilespmem:$0x4900] =	vst v63  }
0x50: {  	_ = 	snop  }
0x51: {  	[tilespmem:s19], [sflag:$0x1] =	stream.indirect_vreg.gather [hbm4b:s13+s2], $0x80, v3, vm0, $0xb8;
	[tilespmem:$0x4900] =	vst v63  }
0x52: {  	_ = 	snop  }
0x53: {  	[tilespmem:s21], [sflag:$0x2] =	stream.indirect.gather [hbm4b:s18+s20], $0x80, s6, s20, $0xb8;
	[tilespmem:$0x4900] =	vst v63  }
0x54: {  	_ =	swait.ge [sflag:s22], $0x4000  }
0x55: {  	[sflag:s22] =	ssyncset.done $0x0  }
0x56: {  	[sflag:s22] =	ssyncadd.s32 $0xFFFFC000  }
0x57: {  	_ =	swait.ge [sflag:s23], $0x800  }
0x58: {  	[sflag:s23] =	ssyncset.done $0x0  }
0x59: {  	[sflag:s23] =	ssyncadd.s32 $0xFFFFF800  }
0x5a: {  	[hbm4b:s24+s2] =	stream.linear.scatter [tilespmem:s8], [sflag:$0x3], $0x4000, $0x38;
	[tilespmem:$0x4900] =	vst v63  }
0x5b: {  	_ =	swait.ge [sflag:s3], $0x4000  }
.Ltmp1:
0x5c: {  	[sflag:s3] =	ssyncset.done $0x0;
	(pc) =	sbr.rel @p0 .LBB2_1-.Ltmp1, $4  }
0x5d: {  	[sflag:s3] =	ssyncadd.s32 $0xFFFFC000  }
0x5e: {  	[hbm4b:s25+s2] =	stream.linear.scatter [tilespmem:s21], [sflag:$0x3], $0x800, $0x38;
	[tilespmem:$0x4900] =	vst v63  }
0x5f: {  	_ =	swait.ge [sflag:s3], $0x800  }
0x60: {  	[sflag:s3] =	ssyncset.done $0x0  }
.LBB2_2:
0x61: {  	[sflag:s3] =	ssyncadd.s32 $0xFFFFF800  }
0x62: {  	_ =	sfence.sel $0x180000  }
0x63: {  	[bflag:$0x0] =	sbarrier.arrive $0xFFFF  }
0x64: {  	p0 =	sne.s32 s0, $0x0;
	_ =	strace $0x90000047  }
0x65: {  	s0 =	sadd.s32 @!p0 $0x100000, s1;
	[bflag:$0x2] =	sbarrier.arrive $0xFFFF  }
0x66: {  	[sflag:s0] =	ssyncadd.tile.s32 @!p0 $0x1;
	_ =	shalt  }
.Lfunc_end2:
_tile_overlayer_lowered:
.L_overlay_start_2:
0x67: {  	(tag) =	ssettag $0x2  }
0x68: {  	s0 =	rddreg [dreg:$0x0];
	s2 =	stileid.u32  }
0x69: {  	s1 =	rddreg [dreg:$0x1];
	p0 =	sne.s32 s2, $0x0  }
0x6a: {  	s3 =	rddreg [dreg:$0x2];
	[bflag:$0x3] =	sbarrier.arrive $0xFFFF;
	s2 =	simm.s32 @!p0 $0x1C03  }
0x6b: {  	[timem:s3], [sflag:s2] =	dma.local @!p0 [hbm:s0], s1  }
0x6c: {  	s0 =	simm.s32 @!p0 $0x3  }
0x6d: {  	_ =	swait.ge @!p0 [sflag:s0], s1  }
0x6e: {  	s1 =	ssub.s32 @!p0 $0x0, s1;
	[sflag:s0] =	ssyncset.done @!p0 $0x0  }
0x6f: {  	[sflag:s0] =	ssyncadd.s32 @!p0 s1  }
0x70: {  	[bflag:$0x3] =	sbarrier.arrive $0xFFFF  }
0x71: {  	_ =	shalt  }

</sc_bundles>
